<compile_context>
chip_gen: v7x
topology: tpu7x:2x2x1
jax: 0.10.2.dev20260603
libtpu: 0.0.44.dev20260713+nightly
codegen_flags: <defaults>
</compile_context>

<pallas_src>
import jax
import jax.numpy as jnp
from jax import lax
from jax.experimental import pallas as pl
from jax.experimental.pallas import tpu as pltpu
from jax.experimental.pallas import tpu_sc as plsc

_B, _C, _K = 4096, 10000, 3
_BH = _B // 128
_CB = 625
_NW = 32
_RPW = _B // _NW


def _sc_gather_body(x_hbm, t0_hbm, t1_hbm, t2_hbm,
                    g0_hbm, g1_hbm, g2_hbm, m1_hbm, m2_hbm,
                    tv0, tv1, tv2, idx0, idx1, idx2, g0, g1, g2,
                    m1v, m2v, sem):
    info = plsc.get_sparse_core_info()
    nc = info.num_cores
    wid = lax.axis_index("s") * nc + lax.axis_index("c")
    base = wid * _RPW

    pltpu.sync_copy(t0_hbm.at[pl.ds(base, _RPW)], tv0)
    pltpu.sync_copy(t1_hbm.at[pl.ds(base, _RPW)], tv1)
    pltpu.sync_copy(t2_hbm.at[pl.ds(base, _RPW)], tv2)

    iota = lax.broadcasted_iota(jnp.int32, (16,), 0)
    one = jnp.ones((16,), jnp.float32)
    zero = jnp.zeros((16,), jnp.float32)
    for c in range(_RPW // 16):
        sl = pl.ds(c * 16, 16)
        t0v = tv0[sl]
        t1v = tv1[sl]
        t2v = tv2[sl]
        rows = (base + c * 16) + iota
        idx0[sl] = t0v * _B + rows
        idx1[sl] = t1v * _B + rows
        idx2[sl] = t2v * _B + rows
        m1v[sl] = jnp.where(t1v != t0v, one, zero)
        m2v[sl] = jnp.where((t2v != t0v) & (t2v != t1v), one, zero)

    pltpu.async_copy(x_hbm.at[idx0], g0, sem).wait()
    pltpu.async_copy(x_hbm.at[idx1], g1, sem).wait()
    pltpu.async_copy(x_hbm.at[idx2], g2, sem).wait()

    pltpu.sync_copy(g0, g0_hbm.at[pl.ds(base, _RPW)])
    pltpu.sync_copy(g1, g1_hbm.at[pl.ds(base, _RPW)])
    pltpu.sync_copy(g2, g2_hbm.at[pl.ds(base, _RPW)])
    pltpu.sync_copy(m1v, m1_hbm.at[pl.ds(base, _RPW)])
    pltpu.sync_copy(m2v, m2_hbm.at[pl.ds(base, _RPW)])


def _sc_gather(xt_flat, t0, t1, t2):
    mesh = plsc.VectorSubcoreMesh(core_axis_name="c", subcore_axis_name="s")
    vec = jax.ShapeDtypeStruct((_B,), jnp.float32)
    return pl.kernel(
        _sc_gather_body,
        mesh=mesh,
        out_type=[vec, vec, vec, vec, vec],
        scratch_types=[
            pltpu.VMEM((_RPW,), jnp.int32),
            pltpu.VMEM((_RPW,), jnp.int32),
            pltpu.VMEM((_RPW,), jnp.int32),
            pltpu.VMEM((_RPW,), jnp.int32),
            pltpu.VMEM((_RPW,), jnp.int32),
            pltpu.VMEM((_RPW,), jnp.int32),
            pltpu.VMEM((_RPW,), jnp.float32),
            pltpu.VMEM((_RPW,), jnp.float32),
            pltpu.VMEM((_RPW,), jnp.float32),
            pltpu.VMEM((_RPW,), jnp.float32),
            pltpu.VMEM((_RPW,), jnp.float32),
            pltpu.SemaphoreType.DMA,
        ],
    )(xt_flat, t0, t1, t2)


def _dense_body(x_ref, g0_ref, g1_ref, g2_ref, m1_ref, m2_ref,
                out_ref, acc_ref):
    i = pl.program_id(0)

    def _step(j, a):
        x = jax.nn.log_sigmoid(x_ref[j])
        return a + 1.0 / x

    psum = lax.fori_loop(0, _CB, _step, jnp.zeros((_BH, 128), jnp.float32))

    @pl.when(i == 0)
    def _init():
        acc_ref[...] = jnp.zeros((_BH, 128), jnp.float32)

    acc_ref[...] += psum

    @pl.when(i == pl.num_programs(0) - 1)
    def _fin():
        ls0 = jax.nn.log_sigmoid(g0_ref[...])
        ls1 = jax.nn.log_sigmoid(g1_ref[...])
        ls2 = jax.nn.log_sigmoid(g2_ref[...])
        ts = ls0 + m1_ref[...] * ls1 + m2_ref[...] * ls2
        ts = jnp.maximum(ts, 1e-6)
        out_ref[...] = (-jnp.sum(ts * acc_ref[...]) / _B).reshape(1, 1)


def kernel(inputs, targets):
    xt = jnp.transpose(inputs[..., 0], (1, 0))
    g0, g1, g2, m1, m2 = _sc_gather(
        xt.reshape(_C * _B),
        targets[:, 0], targets[:, 1], targets[:, 2],
    )
    lane_spec = pl.BlockSpec((_BH, 128), lambda i: (0, 0))
    acc = pl.pallas_call(
        _dense_body,
        grid=(_C // _CB,),
        in_specs=[
            pl.BlockSpec((_CB, _BH, 128), lambda i: (i, 0, 0)),
            lane_spec, lane_spec, lane_spec, lane_spec, lane_spec,
        ],
        out_specs=pl.BlockSpec((1, 1), lambda i: (0, 0)),
        out_shape=jax.ShapeDtypeStruct((1, 1), jnp.float32),
        scratch_shapes=[pltpu.VMEM((_BH, 128), jnp.float32)],
        compiler_params=pltpu.CompilerParams(
            dimension_semantics=("arbitrary",),
        ),
    )(xt.reshape(_C, _BH, 128),
      g0.reshape(_BH, 128), g1.reshape(_BH, 128), g2.reshape(_BH, 128),
      m1.reshape(_BH, 128), m2.reshape(_BH, 128))
    return acc[0, 0]

# --- scband reference (transcript-rebuilt; emitter-appended) ---
"""Pipeline reference for scband-my-loss-73607149519597 (READ-ONLY COPY).

The authoritative reference and input builder live on the scoring server;
editing this copy changes nothing except your own understanding.
"""

import jax, jax.numpy as jnp
import numpy as np

B = 4096
C = 10000
K = 3

def setup_inputs(seed: int = 0) -> dict:
    key = jax.random.key(seed)
    k1, k2 = jax.random.split(key)
    inputs = jax.random.normal(k1, (B, C, 1), dtype=jnp.float32)
    targets = jax.random.randint(k2, (B, K), 0, C)
    return {"inputs": inputs, "targets": targets}

def reference(inputs, targets):
    # inputs: [b, cluster_num, 1]; targets: [b, 3] int cluster ids
    x = jax.nn.log_sigmoid(inputs)[..., 0]  # squeeze(2) -> [b, C]
    b, c = x.shape
    # mask = zeros(b, C).scatter_(1, targets, 1)
    mask = jnp.zeros((b, c), dtype=x.dtype).at[jnp.arange(b)[:, None], targets].set(1.0)
    # t_score = (x * mask).sum(dim=1, keepdim=True).clamp_(min=1e-6)
    t_score = jnp.clip(jnp.sum(x * mask, axis=1, keepdims=True), 1e-6, None)
    # res = -(t_score / x).sum(dim=1).mean()
    res = -jnp.mean(jnp.sum(t_score / x, axis=1))
    return res

if __name__ == "__main__":
    import jax
    _d = setup_inputs()
    print(jax.jit(kernel)(*tuple(_d.values())))

</pallas_src>

<mosaic_0001>
#map = affine_map<(d0, d1) -> (0)>
module attributes {stable_mosaic.version = 14 : i64} {
  func.func @_sc_gather_body(%arg0: i32, %arg1: i32, %arg2: memref<40960000xf32, #tpu.memory_space<hbm>>, %arg3: memref<4096xi32, #tpu.memory_space<hbm>>, %arg4: memref<4096xi32, #tpu.memory_space<hbm>>, %arg5: memref<4096xi32, #tpu.memory_space<hbm>>, %arg6: memref<4096xf32, #tpu.memory_space<hbm>>, %arg7: memref<4096xf32, #tpu.memory_space<hbm>>, %arg8: memref<4096xf32, #tpu.memory_space<hbm>>, %arg9: memref<4096xf32, #tpu.memory_space<hbm>>, %arg10: memref<4096xf32, #tpu.memory_space<hbm>>, %arg11: memref<128xi32, #tpu.memory_space<vmem>>, %arg12: memref<128xi32, #tpu.memory_space<vmem>>, %arg13: memref<128xi32, #tpu.memory_space<vmem>>, %arg14: memref<128xi32, #tpu.memory_space<vmem>>, %arg15: memref<128xi32, #tpu.memory_space<vmem>>, %arg16: memref<128xi32, #tpu.memory_space<vmem>>, %arg17: memref<128xf32, #tpu.memory_space<vmem>>, %arg18: memref<128xf32, #tpu.memory_space<vmem>>, %arg19: memref<128xf32, #tpu.memory_space<vmem>>, %arg20: memref<128xf32, #tpu.memory_space<vmem>>, %arg21: memref<128xf32, #tpu.memory_space<vmem>>, %arg22: memref<!tpu.dma_semaphore, #tpu.memory_space<semaphore_mem>>) attributes {dimension_semantics = [#tpu.dimension_semantics<core_parallel>, #tpu.dimension_semantics<subcore_parallel>], iteration_bounds = array<i64: 2, 16>, scalar_prefetch = 0 : i64, scratch_operands = 12 : i64, tpu.core_type = #tpu.core_type<sc_vector_subcore>, window_params = [{transform_indices = #map}, {transform_indices = #map}, {transform_indices = #map}, {transform_indices = #map}, {transform_indices = #map}, {transform_indices = #map}, {transform_indices = #map}, {transform_indices = #map}, {transform_indices = #map}]} {
    %mul3A = arith.constant 2 : i32
    %mul3A_0 = arith.muli %arg1, %mul3A : i32
    %add3A = arith.addi %mul3A_0, %arg0 : i32
    %mul3A_1 = arith.constant 128 : i32
    %mul3A_2 = arith.muli %add3A, %mul3A_1 : i32
    "tpu.region"() ({
      %run_scoped3A = tpu.sem_alloc : memref<!tpu.dma_semaphore, #tpu.memory_space<semaphore_mem>>
      %dma_start3A_419 = tpu.memref_slice %arg3[%mul3A_2] : memref<4096xi32, #tpu.memory_space<hbm>> -> memref<128xi32, #tpu.memory_space<hbm>>
      %dma_start3A_420 = tpu.memref_slice %arg3[%mul3A_2] : memref<4096xi32, #tpu.memory_space<hbm>> -> memref<128xi32, #tpu.memory_space<hbm>>
      tpu.enqueue_dma source(%dma_start3A_420 : memref<128xi32, #tpu.memory_space<hbm>>) target(%arg11 : memref<128xi32, #tpu.memory_space<vmem>>) target_semaphore(%run_scoped3A : memref<!tpu.dma_semaphore, #tpu.memory_space<semaphore_mem>>)
      %dma_wait3A_421 = tpu.memref_slice %arg3[%mul3A_2] : memref<4096xi32, #tpu.memory_space<hbm>> -> memref<128xi32, #tpu.memory_space<hbm>>
      %dma_wait3A_422 = tpu.memref_slice %arg3[%mul3A_2] : memref<4096xi32, #tpu.memory_space<hbm>> -> memref<128xi32, #tpu.memory_space<hbm>>
      tpu.wait_dma2 semaphore(%run_scoped3A : memref<!tpu.dma_semaphore, #tpu.memory_space<semaphore_mem>>) src(%dma_wait3A_422 : memref<128xi32, #tpu.memory_space<hbm>>) dst(%arg11 : memref<128xi32, #tpu.memory_space<vmem>>)
      tpu.yield
    }) : () -> ()
    "tpu.region"() ({
      %run_scoped3A = tpu.sem_alloc : memref<!tpu.dma_semaphore, #tpu.memory_space<semaphore_mem>>
      %dma_start3A_419 = tpu.memref_slice %arg4[%mul3A_2] : memref<4096xi32, #tpu.memory_space<hbm>> -> memref<128xi32, #tpu.memory_space<hbm>>
      %dma_start3A_420 = tpu.memref_slice %arg4[%mul3A_2] : memref<4096xi32, #tpu.memory_space<hbm>> -> memref<128xi32, #tpu.memory_space<hbm>>
      tpu.enqueue_dma source(%dma_start3A_420 : memref<128xi32, #tpu.memory_space<hbm>>) target(%arg12 : memref<128xi32, #tpu.memory_space<vmem>>) target_semaphore(%run_scoped3A : memref<!tpu.dma_semaphore, #tpu.memory_space<semaphore_mem>>)
      %dma_wait3A_421 = tpu.memref_slice %arg4[%mul3A_2] : memref<4096xi32, #tpu.memory_space<hbm>> -> memref<128xi32, #tpu.memory_space<hbm>>
      %dma_wait3A_422 = tpu.memref_slice %arg4[%mul3A_2] : memref<4096xi32, #tpu.memory_space<hbm>> -> memref<128xi32, #tpu.memory_space<hbm>>
      tpu.wait_dma2 semaphore(%run_scoped3A : memref<!tpu.dma_semaphore, #tpu.memory_space<semaphore_mem>>) src(%dma_wait3A_422 : memref<128xi32, #tpu.memory_space<hbm>>) dst(%arg12 : memref<128xi32, #tpu.memory_space<vmem>>)
      tpu.yield
    }) : () -> ()
    "tpu.region"() ({
      %run_scoped3A = tpu.sem_alloc : memref<!tpu.dma_semaphore, #tpu.memory_space<semaphore_mem>>
      %dma_start3A_419 = tpu.memref_slice %arg5[%mul3A_2] : memref<4096xi32, #tpu.memory_space<hbm>> -> memref<128xi32, #tpu.memory_space<hbm>>
      %dma_start3A_420 = tpu.memref_slice %arg5[%mul3A_2] : memref<4096xi32, #tpu.memory_space<hbm>> -> memref<128xi32, #tpu.memory_space<hbm>>
      tpu.enqueue_dma source(%dma_start3A_420 : memref<128xi32, #tpu.memory_space<hbm>>) target(%arg13 : memref<128xi32, #tpu.memory_space<vmem>>) target_semaphore(%run_scoped3A : memref<!tpu.dma_semaphore, #tpu.memory_space<semaphore_mem>>)
      %dma_wait3A_421 = tpu.memref_slice %arg5[%mul3A_2] : memref<4096xi32, #tpu.memory_space<hbm>> -> memref<128xi32, #tpu.memory_space<hbm>>
      %dma_wait3A_422 = tpu.memref_slice %arg5[%mul3A_2] : memref<4096xi32, #tpu.memory_space<hbm>> -> memref<128xi32, #tpu.memory_space<hbm>>
      tpu.wait_dma2 semaphore(%run_scoped3A : memref<!tpu.dma_semaphore, #tpu.memory_space<semaphore_mem>>) src(%dma_wait3A_422 : memref<128xi32, #tpu.memory_space<hbm>>) dst(%arg13 : memref<128xi32, #tpu.memory_space<vmem>>)
      tpu.yield
    }) : () -> ()
    %iota3A = tpu.iota {dimensions = array<i32: 0>} : vector<16xi32>
    %broadcast_in_dim3A = arith.constant 1.000000e+00 : f32
    %broadcast_in_dim3A_3 = vector.broadcast %broadcast_in_dim3A : f32 to vector<16xf32>
    %broadcast_in_dim3A_4 = arith.constant 0.000000e+00 : f32
    %broadcast_in_dim3A_5 = vector.broadcast %broadcast_in_dim3A_4 : f32 to vector<16xf32>
    %get3A = arith.constant 0 : index
    %get3A_6 = tpu.vector_load %arg11[%get3A] {strides = array<i32>} : memref<128xi32, #tpu.memory_space<vmem>>, vector<16xi32>,
    %get3A_7 = vector.shape_cast %get3A_6 : vector<16xi32> to vector<16xi32>
    %get3A_8 = arith.constant 0 : index
    %get3A_9 = tpu.vector_load %arg12[%get3A_8] {strides = array<i32>} : memref<128xi32, #tpu.memory_space<vmem>>, vector<16xi32>,
    %get3A_10 = vector.shape_cast %get3A_9 : vector<16xi32> to vector<16xi32>
    %get3A_11 = arith.constant 0 : index
    %get3A_12 = tpu.vector_load %arg13[%get3A_11] {strides = array<i32>} : memref<128xi32, #tpu.memory_space<vmem>>, vector<16xi32>,
    %get3A_13 = vector.shape_cast %get3A_12 : vector<16xi32> to vector<16xi32>
    %add3A_14 = arith.constant 0 : i32
    %add3A_15 = arith.addi %mul3A_2, %add3A_14 : i32
    %add3A_16 = vector.broadcast %add3A_15 : i32 to vector<16xi32>
    %add3A_17 = arith.addi %add3A_16, %iota3A : vector<16xi32>
    %mul3A_18 = arith.constant 4096 : i32
    %mul3A_19 = vector.broadcast %mul3A_18 : i32 to vector<16xi32>
    %mul3A_20 = arith.muli %get3A_7, %mul3A_19 : vector<16xi32>
    %add3A_21 = arith.addi %mul3A_20, %add3A_17 : vector<16xi32>
    %swap3A = arith.constant 0 : index
    %swap3A_22 = tpu.vector_load %arg14[%swap3A] {strides = array<i32>} : memref<128xi32, #tpu.memory_space<vmem>>, vector<16xi32>,
    %swap3A_23 = vector.shape_cast %swap3A_22 : vector<16xi32> to vector<16xi32>
    %swap3A_24 = vector.shape_cast %add3A_21 : vector<16xi32> to vector<16xi32>
    tpu.vector_store %arg14[%swap3A], %swap3A_24 {strides = array<i32>} : memref<128xi32, #tpu.memory_space<vmem>>, vector<16xi32>,
    %mul3A_25 = arith.constant 4096 : i32
    %mul3A_26 = vector.broadcast %mul3A_25 : i32 to vector<16xi32>
    %mul3A_27 = arith.muli %get3A_10, %mul3A_26 : vector<16xi32>
    %add3A_28 = arith.addi %mul3A_27, %add3A_17 : vector<16xi32>
    %swap3A_29 = arith.constant 0 : index
    %swap3A_30 = tpu.vector_load %arg15[%swap3A_29] {strides = array<i32>} : memref<128xi32, #tpu.memory_space<vmem>>, vector<16xi32>,
    %swap3A_31 = vector.shape_cast %swap3A_30 : vector<16xi32> to vector<16xi32>
    %swap3A_32 = vector.shape_cast %add3A_28 : vector<16xi32> to vector<16xi32>
    tpu.vector_store %arg15[%swap3A_29], %swap3A_32 {strides = array<i32>} : memref<128xi32, #tpu.memory_space<vmem>>, vector<16xi32>,
    %mul3A_33 = arith.constant 4096 : i32
    %mul3A_34 = vector.broadcast %mul3A_33 : i32 to vector<16xi32>
    %mul3A_35 = arith.muli %get3A_13, %mul3A_34 : vector<16xi32>
    %add3A_36 = arith.addi %mul3A_35, %add3A_17 : vector<16xi32>
    %swap3A_37 = arith.constant 0 : index
    %swap3A_38 = tpu.vector_load %arg16[%swap3A_37] {strides = array<i32>} : memref<128xi32, #tpu.memory_space<vmem>>, vector<16xi32>,
    %swap3A_39 = vector.shape_cast %swap3A_38 : vector<16xi32> to vector<16xi32>
    %swap3A_40 = vector.shape_cast %add3A_36 : vector<16xi32> to vector<16xi32>
    tpu.vector_store %arg16[%swap3A_37], %swap3A_40 {strides = array<i32>} : memref<128xi32, #tpu.memory_space<vmem>>, vector<16xi32>,
    %ne3A = arith.cmpi ne, %get3A_10, %get3A_7 : vector<16xi32>
    %select_n3A = arith.select %ne3A, %broadcast_in_dim3A_3, %broadcast_in_dim3A_5 : vector<16xi1>, vector<16xf32>
    %swap3A_41 = arith.constant 0 : index
    %swap3A_42 = tpu.vector_load %arg20[%swap3A_41] {strides = array<i32>} : memref<128xf32, #tpu.memory_space<vmem>>, vector<16xf32>,
    %swap3A_43 = vector.shape_cast %swap3A_42 : vector<16xf32> to vector<16xf32>
    %swap3A_44 = vector.shape_cast %select_n3A : vector<16xf32> to vector<16xf32>
    tpu.vector_store %arg20[%swap3A_41], %swap3A_44 {strides = array<i32>} : memref<128xf32, #tpu.memory_space<vmem>>, vector<16xf32>,
    %ne3A_45 = arith.cmpi ne, %get3A_13, %get3A_7 : vector<16xi32>
    %ne3A_46 = arith.cmpi ne, %get3A_13, %get3A_10 : vector<16xi32>
    %and3A = arith.andi %ne3A_45, %ne3A_46 : vector<16xi1>
    %select_n3A_47 = arith.select %and3A, %broadcast_in_dim3A_3, %broadcast_in_dim3A_5 : vector<16xi1>, vector<16xf32>
    %swap3A_48 = arith.constant 0 : index
    %swap3A_49 = tpu.vector_load %arg21[%swap3A_48] {strides = array<i32>} : memref<128xf32, #tpu.memory_space<vmem>>, vector<16xf32>,
    %swap3A_50 = vector.shape_cast %swap3A_49 : vector<16xf32> to vector<16xf32>
    %swap3A_51 = vector.shape_cast %select_n3A_47 : vector<16xf32> to vector<16xf32>
    tpu.vector_store %arg21[%swap3A_48], %swap3A_51 {strides = array<i32>} : memref<128xf32, #tpu.memory_space<vmem>>, vector<16xf32>,
    %get3A_52 = arith.constant 16 : index
    %get3A_53 = tpu.vector_load %arg11[%get3A_52] {strides = array<i32>} : memref<128xi32, #tpu.memory_space<vmem>>, vector<16xi32>,
    %get3A_54 = vector.shape_cast %get3A_53 : vector<16xi32> to vector<16xi32>
    %get3A_55 = arith.constant 16 : index
    %get3A_56 = tpu.vector_load %arg12[%get3A_55] {strides = array<i32>} : memref<128xi32, #tpu.memory_space<vmem>>, vector<16xi32>,
    %get3A_57 = vector.shape_cast %get3A_56 : vector<16xi32> to vector<16xi32>
    %get3A_58 = arith.constant 16 : index
    %get3A_59 = tpu.vector_load %arg13[%get3A_58] {strides = array<i32>} : memref<128xi32, #tpu.memory_space<vmem>>, vector<16xi32>,
    %get3A_60 = vector.shape_cast %get3A_59 : vector<16xi32> to vector<16xi32>
    %add3A_61 = arith.constant 16 : i32
    %add3A_62 = arith.addi %mul3A_2, %add3A_61 : i32
    %add3A_63 = vector.broadcast %add3A_62 : i32 to vector<16xi32>
    %add3A_64 = arith.addi %add3A_63, %iota3A : vector<16xi32>
    %mul3A_65 = arith.constant 4096 : i32
    %mul3A_66 = vector.broadcast %mul3A_65 : i32 to vector<16xi32>
    %mul3A_67 = arith.muli %get3A_54, %mul3A_66 : vector<16xi32>
    %add3A_68 = arith.addi %mul3A_67, %add3A_64 : vector<16xi32>
    %swap3A_69 = arith.constant 16 : index
    %swap3A_70 = tpu.vector_load %arg14[%swap3A_69] {strides = array<i32>} : memref<128xi32, #tpu.memory_space<vmem>>, vector<16xi32>,
    %swap3A_71 = vector.shape_cast %swap3A_70 : vector<16xi32> to vector<16xi32>
    %swap3A_72 = vector.shape_cast %add3A_68 : vector<16xi32> to vector<16xi32>
    tpu.vector_store %arg14[%swap3A_69], %swap3A_72 {strides = array<i32>} : memref<128xi32, #tpu.memory_space<vmem>>, vector<16xi32>,
    %mul3A_73 = arith.constant 4096 : i32
    %mul3A_74 = vector.broadcast %mul3A_73 : i32 to vector<16xi32>
    %mul3A_75 = arith.muli %get3A_57, %mul3A_74 : vector<16xi32>
    %add3A_76 = arith.addi %mul3A_75, %add3A_64 : vector<16xi32>
    %swap3A_77 = arith.constant 16 : index
    %swap3A_78 = tpu.vector_load %arg15[%swap3A_77] {strides = array<i32>} : memref<128xi32, #tpu.memory_space<vmem>>, vector<16xi32>,
    %swap3A_79 = vector.shape_cast %swap3A_78 : vector<16xi32> to vector<16xi32>
    %swap3A_80 = vector.shape_cast %add3A_76 : vector<16xi32> to vector<16xi32>
    tpu.vector_store %arg15[%swap3A_77], %swap3A_80 {strides = array<i32>} : memref<128xi32, #tpu.memory_space<vmem>>, vector<16xi32>,
    %mul3A_81 = arith.constant 4096 : i32
    %mul3A_82 = vector.broadcast %mul3A_81 : i32 to vector<16xi32>
    %mul3A_83 = arith.muli %get3A_60, %mul3A_82 : vector<16xi32>
    %add3A_84 = arith.addi %mul3A_83, %add3A_64 : vector<16xi32>
    %swap3A_85 = arith.constant 16 : index
    %swap3A_86 = tpu.vector_load %arg16[%swap3A_85] {strides = array<i32>} : memref<128xi32, #tpu.memory_space<vmem>>, vector<16xi32>,
    %swap3A_87 = vector.shape_cast %swap3A_86 : vector<16xi32> to vector<16xi32>
    %swap3A_88 = vector.shape_cast %add3A_84 : vector<16xi32> to vector<16xi32>
    tpu.vector_store %arg16[%swap3A_85], %swap3A_88 {strides = array<i32>} : memref<128xi32, #tpu.memory_space<vmem>>, vector<16xi32>,
    %ne3A_89 = arith.cmpi ne, %get3A_57, %get3A_54 : vector<16xi32>
    %select_n3A_90 = arith.select %ne3A_89, %broadcast_in_dim3A_3, %broadcast_in_dim3A_5 : vector<16xi1>, vector<16xf32>
    %swap3A_91 = arith.constant 16 : index
    %swap3A_92 = tpu.vector_load %arg20[%swap3A_91] {strides = array<i32>} : memref<128xf32, #tpu.memory_space<vmem>>, vector<16xf32>,
    %swap3A_93 = vector.shape_cast %swap3A_92 : vector<16xf32> to vector<16xf32>
    %swap3A_94 = vector.shape_cast %select_n3A_90 : vector<16xf32> to vector<16xf32>
    tpu.vector_store %arg20[%swap3A_91], %swap3A_94 {strides = array<i32>} : memref<128xf32, #tpu.memory_space<vmem>>, vector<16xf32>,
    %ne3A_95 = arith.cmpi ne, %get3A_60, %get3A_54 : vector<16xi32>
    %ne3A_96 = arith.cmpi ne, %get3A_60, %get3A_57 : vector<16xi32>
    %and3A_97 = arith.andi %ne3A_95, %ne3A_96 : vector<16xi1>
    %select_n3A_98 = arith.select %and3A_97, %broadcast_in_dim3A_3, %broadcast_in_dim3A_5 : vector<16xi1>, vector<16xf32>
    %swap3A_99 = arith.constant 16 : index
    %swap3A_100 = tpu.vector_load %arg21[%swap3A_99] {strides = array<i32>} : memref<128xf32, #tpu.memory_space<vmem>>, vector<16xf32>,
    %swap3A_101 = vector.shape_cast %swap3A_100 : vector<16xf32> to vector<16xf32>
    %swap3A_102 = vector.shape_cast %select_n3A_98 : vector<16xf32> to vector<16xf32>
    tpu.vector_store %arg21[%swap3A_99], %swap3A_102 {strides = array<i32>} : memref<128xf32, #tpu.memory_space<vmem>>, vector<16xf32>,
    %get3A_103 = arith.constant 32 : index
    %get3A_104 = tpu.vector_load %arg11[%get3A_103] {strides = array<i32>} : memref<128xi32, #tpu.memory_space<vmem>>, vector<16xi32>,
    %get3A_105 = vector.shape_cast %get3A_104 : vector<16xi32> to vector<16xi32>
    %get3A_106 = arith.constant 32 : index
    %get3A_107 = tpu.vector_load %arg12[%get3A_106] {strides = array<i32>} : memref<128xi32, #tpu.memory_space<vmem>>, vector<16xi32>,
    %get3A_108 = vector.shape_cast %get3A_107 : vector<16xi32> to vector<16xi32>
    %get3A_109 = arith.constant 32 : index
    %get3A_110 = tpu.vector_load %arg13[%get3A_109] {strides = array<i32>} : memref<128xi32, #tpu.memory_space<vmem>>, vector<16xi32>,
    %get3A_111 = vector.shape_cast %get3A_110 : vector<16xi32> to vector<16xi32>
    %add3A_112 = arith.constant 32 : i32
    %add3A_113 = arith.addi %mul3A_2, %add3A_112 : i32
    %add3A_114 = vector.broadcast %add3A_113 : i32 to vector<16xi32>
    %add3A_115 = arith.addi %add3A_114, %iota3A : vector<16xi32>
    %mul3A_116 = arith.constant 4096 : i32
    %mul3A_117 = vector.broadcast %mul3A_116 : i32 to vector<16xi32>
    %mul3A_118 = arith.muli %get3A_105, %mul3A_117 : vector<16xi32>
    %add3A_119 = arith.addi %mul3A_118, %add3A_115 : vector<16xi32>
    %swap3A_120 = arith.constant 32 : index
    %swap3A_121 = tpu.vector_load %arg14[%swap3A_120] {strides = array<i32>} : memref<128xi32, #tpu.memory_space<vmem>>, vector<16xi32>,
    %swap3A_122 = vector.shape_cast %swap3A_121 : vector<16xi32> to vector<16xi32>
    %swap3A_123 = vector.shape_cast %add3A_119 : vector<16xi32> to vector<16xi32>
    tpu.vector_store %arg14[%swap3A_120], %swap3A_123 {strides = array<i32>} : memref<128xi32, #tpu.memory_space<vmem>>, vector<16xi32>,
    %mul3A_124 = arith.constant 4096 : i32
    %mul3A_125 = vector.broadcast %mul3A_124 : i32 to vector<16xi32>
    %mul3A_126 = arith.muli %get3A_108, %mul3A_125 : vector<16xi32>
    %add3A_127 = arith.addi %mul3A_126, %add3A_115 : vector<16xi32>
    %swap3A_128 = arith.constant 32 : index
    %swap3A_129 = tpu.vector_load %arg15[%swap3A_128] {strides = array<i32>} : memref<128xi32, #tpu.memory_space<vmem>>, vector<16xi32>,
    %swap3A_130 = vector.shape_cast %swap3A_129 : vector<16xi32> to vector<16xi32>
    %swap3A_131 = vector.shape_cast %add3A_127 : vector<16xi32> to vector<16xi32>
    tpu.vector_store %arg15[%swap3A_128], %swap3A_131 {strides = array<i32>} : memref<128xi32, #tpu.memory_space<vmem>>, vector<16xi32>,
    %mul3A_132 = arith.constant 4096 : i32
    %mul3A_133 = vector.broadcast %mul3A_132 : i32 to vector<16xi32>
    %mul3A_134 = arith.muli %get3A_111, %mul3A_133 : vector<16xi32>
    %add3A_135 = arith.addi %mul3A_134, %add3A_115 : vector<16xi32>
    %swap3A_136 = arith.constant 32 : index
    %swap3A_137 = tpu.vector_load %arg16[%swap3A_136] {strides = array<i32>} : memref<128xi32, #tpu.memory_space<vmem>>, vector<16xi32>,
    %swap3A_138 = vector.shape_cast %swap3A_137 : vector<16xi32> to vector<16xi32>
    %swap3A_139 = vector.shape_cast %add3A_135 : vector<16xi32> to vector<16xi32>
    tpu.vector_store %arg16[%swap3A_136], %swap3A_139 {strides = array<i32>} : memref<128xi32, #tpu.memory_space<vmem>>, vector<16xi32>,
    %ne3A_140 = arith.cmpi ne, %get3A_108, %get3A_105 : vector<16xi32>
    %select_n3A_141 = arith.select %ne3A_140, %broadcast_in_dim3A_3, %broadcast_in_dim3A_5 : vector<16xi1>, vector<16xf32>
    %swap3A_142 = arith.constant 32 : index
    %swap3A_143 = tpu.vector_load %arg20[%swap3A_142] {strides = array<i32>} : memref<128xf32, #tpu.memory_space<vmem>>, vector<16xf32>,
    %swap3A_144 = vector.shape_cast %swap3A_143 : vector<16xf32> to vector<16xf32>
    %swap3A_145 = vector.shape_cast %select_n3A_141 : vector<16xf32> to vector<16xf32>
    tpu.vector_store %arg20[%swap3A_142], %swap3A_145 {strides = array<i32>} : memref<128xf32, #tpu.memory_space<vmem>>, vector<16xf32>,
    %ne3A_146 = arith.cmpi ne, %get3A_111, %get3A_105 : vector<16xi32>
    %ne3A_147 = arith.cmpi ne, %get3A_111, %get3A_108 : vector<16xi32>
    %and3A_148 = arith.andi %ne3A_146, %ne3A_147 : vector<16xi1>
    %select_n3A_149 = arith.select %and3A_148, %broadcast_in_dim3A_3, %broadcast_in_dim3A_5 : vector<16xi1>, vector<16xf32>
    %swap3A_150 = arith.constant 32 : index
    %swap3A_151 = tpu.vector_load %arg21[%swap3A_150] {strides = array<i32>} : memref<128xf32, #tpu.memory_space<vmem>>, vector<16xf32>,
    %swap3A_152 = vector.shape_cast %swap3A_151 : vector<16xf32> to vector<16xf32>
    %swap3A_153 = vector.shape_cast %select_n3A_149 : vector<16xf32> to vector<16xf32>
    tpu.vector_store %arg21[%swap3A_150], %swap3A_153 {strides = array<i32>} : memref<128xf32, #tpu.memory_space<vmem>>, vector<16xf32>,
    %get3A_154 = arith.constant 48 : index
    %get3A_155 = tpu.vector_load %arg11[%get3A_154] {strides = array<i32>} : memref<128xi32, #tpu.memory_space<vmem>>, vector<16xi32>,
    %get3A_156 = vector.shape_cast %get3A_155 : vector<16xi32> to vector<16xi32>
    %get3A_157 = arith.constant 48 : index
    %get3A_158 = tpu.vector_load %arg12[%get3A_157] {strides = array<i32>} : memref<128xi32, #tpu.memory_space<vmem>>, vector<16xi32>,
    %get3A_159 = vector.shape_cast %get3A_158 : vector<16xi32> to vector<16xi32>
    %get3A_160 = arith.constant 48 : index
    %get3A_161 = tpu.vector_load %arg13[%get3A_160] {strides = array<i32>} : memref<128xi32, #tpu.memory_space<vmem>>, vector<16xi32>,
    %get3A_162 = vector.shape_cast %get3A_161 : vector<16xi32> to vector<16xi32>
    %add3A_163 = arith.constant 48 : i32
    %add3A_164 = arith.addi %mul3A_2, %add3A_163 : i32
    %add3A_165 = vector.broadcast %add3A_164 : i32 to vector<16xi32>
    %add3A_166 = arith.addi %add3A_165, %iota3A : vector<16xi32>
    %mul3A_167 = arith.constant 4096 : i32
    %mul3A_168 = vector.broadcast %mul3A_167 : i32 to vector<16xi32>
    %mul3A_169 = arith.muli %get3A_156, %mul3A_168 : vector<16xi32>
    %add3A_170 = arith.addi %mul3A_169, %add3A_166 : vector<16xi32>
    %swap3A_171 = arith.constant 48 : index
    %swap3A_172 = tpu.vector_load %arg14[%swap3A_171] {strides = array<i32>} : memref<128xi32, #tpu.memory_space<vmem>>, vector<16xi32>,
    %swap3A_173 = vector.shape_cast %swap3A_172 : vector<16xi32> to vector<16xi32>
    %swap3A_174 = vector.shape_cast %add3A_170 : vector<16xi32> to vector<16xi32>
    tpu.vector_store %arg14[%swap3A_171], %swap3A_174 {strides = array<i32>} : memref<128xi32, #tpu.memory_space<vmem>>, vector<16xi32>,
    %mul3A_175 = arith.constant 4096 : i32
    %mul3A_176 = vector.broadcast %mul3A_175 : i32 to vector<16xi32>
    %mul3A_177 = arith.muli %get3A_159, %mul3A_176 : vector<16xi32>
    %add3A_178 = arith.addi %mul3A_177, %add3A_166 : vector<16xi32>
    %swap3A_179 = arith.constant 48 : index
    %swap3A_180 = tpu.vector_load %arg15[%swap3A_179] {strides = array<i32>} : memref<128xi32, #tpu.memory_space<vmem>>, vector<16xi32>,
    %swap3A_181 = vector.shape_cast %swap3A_180 : vector<16xi32> to vector<16xi32>
    %swap3A_182 = vector.shape_cast %add3A_178 : vector<16xi32> to vector<16xi32>
    tpu.vector_store %arg15[%swap3A_179], %swap3A_182 {strides = array<i32>} : memref<128xi32, #tpu.memory_space<vmem>>, vector<16xi32>,
    %mul3A_183 = arith.constant 4096 : i32
    %mul3A_184 = vector.broadcast %mul3A_183 : i32 to vector<16xi32>
    %mul3A_185 = arith.muli %get3A_162, %mul3A_184 : vector<16xi32>
    %add3A_186 = arith.addi %mul3A_185, %add3A_166 : vector<16xi32>
    %swap3A_187 = arith.constant 48 : index
    %swap3A_188 = tpu.vector_load %arg16[%swap3A_187] {strides = array<i32>} : memref<128xi32, #tpu.memory_space<vmem>>, vector<16xi32>,
    %swap3A_189 = vector.shape_cast %swap3A_188 : vector<16xi32> to vector<16xi32>
    %swap3A_190 = vector.shape_cast %add3A_186 : vector<16xi32> to vector<16xi32>
    tpu.vector_store %arg16[%swap3A_187], %swap3A_190 {strides = array<i32>} : memref<128xi32, #tpu.memory_space<vmem>>, vector<16xi32>,
    %ne3A_191 = arith.cmpi ne, %get3A_159, %get3A_156 : vector<16xi32>
    %select_n3A_192 = arith.select %ne3A_191, %broadcast_in_dim3A_3, %broadcast_in_dim3A_5 : vector<16xi1>, vector<16xf32>
    %swap3A_193 = arith.constant 48 : index
    %swap3A_194 = tpu.vector_load %arg20[%swap3A_193] {strides = array<i32>} : memref<128xf32, #tpu.memory_space<vmem>>, vector<16xf32>,
    %swap3A_195 = vector.shape_cast %swap3A_194 : vector<16xf32> to vector<16xf32>
    %swap3A_196 = vector.shape_cast %select_n3A_192 : vector<16xf32> to vector<16xf32>
    tpu.vector_store %arg20[%swap3A_193], %swap3A_196 {strides = array<i32>} : memref<128xf32, #tpu.memory_space<vmem>>, vector<16xf32>,
    %ne3A_197 = arith.cmpi ne, %get3A_162, %get3A_156 : vector<16xi32>
    %ne3A_198 = arith.cmpi ne, %get3A_162, %get3A_159 : vector<16xi32>
    %and3A_199 = arith.andi %ne3A_197, %ne3A_198 : vector<16xi1>
    %select_n3A_200 = arith.select %and3A_199, %broadcast_in_dim3A_3, %broadcast_in_dim3A_5 : vector<16xi1>, vector<16xf32>
    %swap3A_201 = arith.constant 48 : index
    %swap3A_202 = tpu.vector_load %arg21[%swap3A_201] {strides = array<i32>} : memref<128xf32, #tpu.memory_space<vmem>>, vector<16xf32>,
    %swap3A_203 = vector.shape_cast %swap3A_202 : vector<16xf32> to vector<16xf32>
    %swap3A_204 = vector.shape_cast %select_n3A_200 : vector<16xf32> to vector<16xf32>
    tpu.vector_store %arg21[%swap3A_201], %swap3A_204 {strides = array<i32>} : memref<128xf32, #tpu.memory_space<vmem>>, vector<16xf32>,
    %get3A_205 = arith.constant 64 : index
    %get3A_206 = tpu.vector_load %arg11[%get3A_205] {strides = array<i32>} : memref<128xi32, #tpu.memory_space<vmem>>, vector<16xi32>,
    %get3A_207 = vector.shape_cast %get3A_206 : vector<16xi32> to vector<16xi32>
    %get3A_208 = arith.constant 64 : index
    %get3A_209 = tpu.vector_load %arg12[%get3A_208] {strides = array<i32>} : memref<128xi32, #tpu.memory_space<vmem>>, vector<16xi32>,
    %get3A_210 = vector.shape_cast %get3A_209 : vector<16xi32> to vector<16xi32>
    %get3A_211 = arith.constant 64 : index
    %get3A_212 = tpu.vector_load %arg13[%get3A_211] {strides = array<i32>} : memref<128xi32, #tpu.memory_space<vmem>>, vector<16xi32>,
    %get3A_213 = vector.shape_cast %get3A_212 : vector<16xi32> to vector<16xi32>
    %add3A_214 = arith.constant 64 : i32
    %add3A_215 = arith.addi %mul3A_2, %add3A_214 : i32
    %add3A_216 = vector.broadcast %add3A_215 : i32 to vector<16xi32>
    %add3A_217 = arith.addi %add3A_216, %iota3A : vector<16xi32>
    %mul3A_218 = arith.constant 4096 : i32
    %mul3A_219 = vector.broadcast %mul3A_218 : i32 to vector<16xi32>
    %mul3A_220 = arith.muli %get3A_207, %mul3A_219 : vector<16xi32>
    %add3A_221 = arith.addi %mul3A_220, %add3A_217 : vector<16xi32>
    %swap3A_222 = arith.constant 64 : index
    %swap3A_223 = tpu.vector_load %arg14[%swap3A_222] {strides = array<i32>} : memref<128xi32, #tpu.memory_space<vmem>>, vector<16xi32>,
    %swap3A_224 = vector.shape_cast %swap3A_223 : vector<16xi32> to vector<16xi32>
    %swap3A_225 = vector.shape_cast %add3A_221 : vector<16xi32> to vector<16xi32>
    tpu.vector_store %arg14[%swap3A_222], %swap3A_225 {strides = array<i32>} : memref<128xi32, #tpu.memory_space<vmem>>, vector<16xi32>,
    %mul3A_226 = arith.constant 4096 : i32
    %mul3A_227 = vector.broadcast %mul3A_226 : i32 to vector<16xi32>
    %mul3A_228 = arith.muli %get3A_210, %mul3A_227 : vector<16xi32>
    %add3A_229 = arith.addi %mul3A_228, %add3A_217 : vector<16xi32>
    %swap3A_230 = arith.constant 64 : index
    %swap3A_231 = tpu.vector_load %arg15[%swap3A_230] {strides = array<i32>} : memref<128xi32, #tpu.memory_space<vmem>>, vector<16xi32>,
    %swap3A_232 = vector.shape_cast %swap3A_231 : vector<16xi32> to vector<16xi32>
    %swap3A_233 = vector.shape_cast %add3A_229 : vector<16xi32> to vector<16xi32>
    tpu.vector_store %arg15[%swap3A_230], %swap3A_233 {strides = array<i32>} : memref<128xi32, #tpu.memory_space<vmem>>, vector<16xi32>,
    %mul3A_234 = arith.constant 4096 : i32
    %mul3A_235 = vector.broadcast %mul3A_234 : i32 to vector<16xi32>
    %mul3A_236 = arith.muli %get3A_213, %mul3A_235 : vector<16xi32>
    %add3A_237 = arith.addi %mul3A_236, %add3A_217 : vector<16xi32>
    %swap3A_238 = arith.constant 64 : index
    %swap3A_239 = tpu.vector_load %arg16[%swap3A_238] {strides = array<i32>} : memref<128xi32, #tpu.memory_space<vmem>>, vector<16xi32>,
    %swap3A_240 = vector.shape_cast %swap3A_239 : vector<16xi32> to vector<16xi32>
    %swap3A_241 = vector.shape_cast %add3A_237 : vector<16xi32> to vector<16xi32>
    tpu.vector_store %arg16[%swap3A_238], %swap3A_241 {strides = array<i32>} : memref<128xi32, #tpu.memory_space<vmem>>, vector<16xi32>,
    %ne3A_242 = arith.cmpi ne, %get3A_210, %get3A_207 : vector<16xi32>
    %select_n3A_243 = arith.select %ne3A_242, %broadcast_in_dim3A_3, %broadcast_in_dim3A_5 : vector<16xi1>, vector<16xf32>
    %swap3A_244 = arith.constant 64 : index
    %swap3A_245 = tpu.vector_load %arg20[%swap3A_244] {strides = array<i32>} : memref<128xf32, #tpu.memory_space<vmem>>, vector<16xf32>,
    %swap3A_246 = vector.shape_cast %swap3A_245 : vector<16xf32> to vector<16xf32>
    %swap3A_247 = vector.shape_cast %select_n3A_243 : vector<16xf32> to vector<16xf32>
    tpu.vector_store %arg20[%swap3A_244], %swap3A_247 {strides = array<i32>} : memref<128xf32, #tpu.memory_space<vmem>>, vector<16xf32>,
    %ne3A_248 = arith.cmpi ne, %get3A_213, %get3A_207 : vector<16xi32>
    %ne3A_249 = arith.cmpi ne, %get3A_213, %get3A_210 : vector<16xi32>
    %and3A_250 = arith.andi %ne3A_248, %ne3A_249 : vector<16xi1>
    %select_n3A_251 = arith.select %and3A_250, %broadcast_in_dim3A_3, %broadcast_in_dim3A_5 : vector<16xi1>, vector<16xf32>
    %swap3A_252 = arith.constant 64 : index
    %swap3A_253 = tpu.vector_load %arg21[%swap3A_252] {strides = array<i32>} : memref<128xf32, #tpu.memory_space<vmem>>, vector<16xf32>,
    %swap3A_254 = vector.shape_cast %swap3A_253 : vector<16xf32> to vector<16xf32>
    %swap3A_255 = vector.shape_cast %select_n3A_251 : vector<16xf32> to vector<16xf32>
    tpu.vector_store %arg21[%swap3A_252], %swap3A_255 {strides = array<i32>} : memref<128xf32, #tpu.memory_space<vmem>>, vector<16xf32>,
    %get3A_256 = arith.constant 80 : index
    %get3A_257 = tpu.vector_load %arg11[%get3A_256] {strides = array<i32>} : memref<128xi32, #tpu.memory_space<vmem>>, vector<16xi32>,
    %get3A_258 = vector.shape_cast %get3A_257 : vector<16xi32> to vector<16xi32>
    %get3A_259 = arith.constant 80 : index
    %get3A_260 = tpu.vector_load %arg12[%get3A_259] {strides = array<i32>} : memref<128xi32, #tpu.memory_space<vmem>>, vector<16xi32>,
    %get3A_261 = vector.shape_cast %get3A_260 : vector<16xi32> to vector<16xi32>
    %get3A_262 = arith.constant 80 : index
    %get3A_263 = tpu.vector_load %arg13[%get3A_262] {strides = array<i32>} : memref<128xi32, #tpu.memory_space<vmem>>, vector<16xi32>,
    %get3A_264 = vector.shape_cast %get3A_263 : vector<16xi32> to vector<16xi32>
    %add3A_265 = arith.constant 80 : i32
    %add3A_266 = arith.addi %mul3A_2, %add3A_265 : i32
    %add3A_267 = vector.broadcast %add3A_266 : i32 to vector<16xi32>
    %add3A_268 = arith.addi %add3A_267, %iota3A : vector<16xi32>
    %mul3A_269 = arith.constant 4096 : i32
    %mul3A_270 = vector.broadcast %mul3A_269 : i32 to vector<16xi32>
    %mul3A_271 = arith.muli %get3A_258, %mul3A_270 : vector<16xi32>
    %add3A_272 = arith.addi %mul3A_271, %add3A_268 : vector<16xi32>
    %swap3A_273 = arith.constant 80 : index
    %swap3A_274 = tpu.vector_load %arg14[%swap3A_273] {strides = array<i32>} : memref<128xi32, #tpu.memory_space<vmem>>, vector<16xi32>,
    %swap3A_275 = vector.shape_cast %swap3A_274 : vector<16xi32> to vector<16xi32>
    %swap3A_276 = vector.shape_cast %add3A_272 : vector<16xi32> to vector<16xi32>
    tpu.vector_store %arg14[%swap3A_273], %swap3A_276 {strides = array<i32>} : memref<128xi32, #tpu.memory_space<vmem>>, vector<16xi32>,
    %mul3A_277 = arith.constant 4096 : i32
    %mul3A_278 = vector.broadcast %mul3A_277 : i32 to vector<16xi32>
    %mul3A_279 = arith.muli %get3A_261, %mul3A_278 : vector<16xi32>
    %add3A_280 = arith.addi %mul3A_279, %add3A_268 : vector<16xi32>
    %swap3A_281 = arith.constant 80 : index
    %swap3A_282 = tpu.vector_load %arg15[%swap3A_281] {strides = array<i32>} : memref<128xi32, #tpu.memory_space<vmem>>, vector<16xi32>,
    %swap3A_283 = vector.shape_cast %swap3A_282 : vector<16xi32> to vector<16xi32>
    %swap3A_284 = vector.shape_cast %add3A_280 : vector<16xi32> to vector<16xi32>
    tpu.vector_store %arg15[%swap3A_281], %swap3A_284 {strides = array<i32>} : memref<128xi32, #tpu.memory_space<vmem>>, vector<16xi32>,
    %mul3A_285 = arith.constant 4096 : i32
    %mul3A_286 = vector.broadcast %mul3A_285 : i32 to vector<16xi32>
    %mul3A_287 = arith.muli %get3A_264, %mul3A_286 : vector<16xi32>
    %add3A_288 = arith.addi %mul3A_287, %add3A_268 : vector<16xi32>
    %swap3A_289 = arith.constant 80 : index
    %swap3A_290 = tpu.vector_load %arg16[%swap3A_289] {strides = array<i32>} : memref<128xi32, #tpu.memory_space<vmem>>, vector<16xi32>,
    %swap3A_291 = vector.shape_cast %swap3A_290 : vector<16xi32> to vector<16xi32>
    %swap3A_292 = vector.shape_cast %add3A_288 : vector<16xi32> to vector<16xi32>
    tpu.vector_store %arg16[%swap3A_289], %swap3A_292 {strides = array<i32>} : memref<128xi32, #tpu.memory_space<vmem>>, vector<16xi32>,
    %ne3A_293 = arith.cmpi ne, %get3A_261, %get3A_258 : vector<16xi32>
    %select_n3A_294 = arith.select %ne3A_293, %broadcast_in_dim3A_3, %broadcast_in_dim3A_5 : vector<16xi1>, vector<16xf32>
    %swap3A_295 = arith.constant 80 : index
    %swap3A_296 = tpu.vector_load %arg20[%swap3A_295] {strides = array<i32>} : memref<128xf32, #tpu.memory_space<vmem>>, vector<16xf32>,
    %swap3A_297 = vector.shape_cast %swap3A_296 : vector<16xf32> to vector<16xf32>
    %swap3A_298 = vector.shape_cast %select_n3A_294 : vector<16xf32> to vector<16xf32>
    tpu.vector_store %arg20[%swap3A_295], %swap3A_298 {strides = array<i32>} : memref<128xf32, #tpu.memory_space<vmem>>, vector<16xf32>,
    %ne3A_299 = arith.cmpi ne, %get3A_264, %get3A_258 : vector<16xi32>
    %ne3A_300 = arith.cmpi ne, %get3A_264, %get3A_261 : vector<16xi32>
    %and3A_301 = arith.andi %ne3A_299, %ne3A_300 : vector<16xi1>
    %select_n3A_302 = arith.select %and3A_301, %broadcast_in_dim3A_3, %broadcast_in_dim3A_5 : vector<16xi1>, vector<16xf32>
    %swap3A_303 = arith.constant 80 : index
    %swap3A_304 = tpu.vector_load %arg21[%swap3A_303] {strides = array<i32>} : memref<128xf32, #tpu.memory_space<vmem>>, vector<16xf32>,
    %swap3A_305 = vector.shape_cast %swap3A_304 : vector<16xf32> to vector<16xf32>
    %swap3A_306 = vector.shape_cast %select_n3A_302 : vector<16xf32> to vector<16xf32>
    tpu.vector_store %arg21[%swap3A_303], %swap3A_306 {strides = array<i32>} : memref<128xf32, #tpu.memory_space<vmem>>, vector<16xf32>,
    %get3A_307 = arith.constant 96 : index
    %get3A_308 = tpu.vector_load %arg11[%get3A_307] {strides = array<i32>} : memref<128xi32, #tpu.memory_space<vmem>>, vector<16xi32>,
    %get3A_309 = vector.shape_cast %get3A_308 : vector<16xi32> to vector<16xi32>
    %get3A_310 = arith.constant 96 : index
    %get3A_311 = tpu.vector_load %arg12[%get3A_310] {strides = array<i32>} : memref<128xi32, #tpu.memory_space<vmem>>, vector<16xi32>,
    %get3A_312 = vector.shape_cast %get3A_311 : vector<16xi32> to vector<16xi32>
    %get3A_313 = arith.constant 96 : index
    %get3A_314 = tpu.vector_load %arg13[%get3A_313] {strides = array<i32>} : memref<128xi32, #tpu.memory_space<vmem>>, vector<16xi32>,
    %get3A_315 = vector.shape_cast %get3A_314 : vector<16xi32> to vector<16xi32>
    %add3A_316 = arith.constant 96 : i32
    %add3A_317 = arith.addi %mul3A_2, %add3A_316 : i32
    %add3A_318 = vector.broadcast %add3A_317 : i32 to vector<16xi32>
    %add3A_319 = arith.addi %add3A_318, %iota3A : vector<16xi32>
    %mul3A_320 = arith.constant 4096 : i32
    %mul3A_321 = vector.broadcast %mul3A_320 : i32 to vector<16xi32>
    %mul3A_322 = arith.muli %get3A_309, %mul3A_321 : vector<16xi32>
    %add3A_323 = arith.addi %mul3A_322, %add3A_319 : vector<16xi32>
    %swap3A_324 = arith.constant 96 : index
    %swap3A_325 = tpu.vector_load %arg14[%swap3A_324] {strides = array<i32>} : memref<128xi32, #tpu.memory_space<vmem>>, vector<16xi32>,
    %swap3A_326 = vector.shape_cast %swap3A_325 : vector<16xi32> to vector<16xi32>
    %swap3A_327 = vector.shape_cast %add3A_323 : vector<16xi32> to vector<16xi32>
    tpu.vector_store %arg14[%swap3A_324], %swap3A_327 {strides = array<i32>} : memref<128xi32, #tpu.memory_space<vmem>>, vector<16xi32>,
    %mul3A_328 = arith.constant 4096 : i32
    %mul3A_329 = vector.broadcast %mul3A_328 : i32 to vector<16xi32>
    %mul3A_330 = arith.muli %get3A_312, %mul3A_329 : vector<16xi32>
    %add3A_331 = arith.addi %mul3A_330, %add3A_319 : vector<16xi32>
    %swap3A_332 = arith.constant 96 : index
    %swap3A_333 = tpu.vector_load %arg15[%swap3A_332] {strides = array<i32>} : memref<128xi32, #tpu.memory_space<vmem>>, vector<16xi32>,
    %swap3A_334 = vector.shape_cast %swap3A_333 : vector<16xi32> to vector<16xi32>
    %swap3A_335 = vector.shape_cast %add3A_331 : vector<16xi32> to vector<16xi32>
    tpu.vector_store %arg15[%swap3A_332], %swap3A_335 {strides = array<i32>} : memref<128xi32, #tpu.memory_space<vmem>>, vector<16xi32>,
    %mul3A_336 = arith.constant 4096 : i32
    %mul3A_337 = vector.broadcast %mul3A_336 : i32 to vector<16xi32>
    %mul3A_338 = arith.muli %get3A_315, %mul3A_337 : vector<16xi32>
    %add3A_339 = arith.addi %mul3A_338, %add3A_319 : vector<16xi32>
    %swap3A_340 = arith.constant 96 : index
    %swap3A_341 = tpu.vector_load %arg16[%swap3A_340] {strides = array<i32>} : memref<128xi32, #tpu.memory_space<vmem>>, vector<16xi32>,
    %swap3A_342 = vector.shape_cast %swap3A_341 : vector<16xi32> to vector<16xi32>
    %swap3A_343 = vector.shape_cast %add3A_339 : vector<16xi32> to vector<16xi32>
    tpu.vector_store %arg16[%swap3A_340], %swap3A_343 {strides = array<i32>} : memref<128xi32, #tpu.memory_space<vmem>>, vector<16xi32>,
    %ne3A_344 = arith.cmpi ne, %get3A_312, %get3A_309 : vector<16xi32>
    %select_n3A_345 = arith.select %ne3A_344, %broadcast_in_dim3A_3, %broadcast_in_dim3A_5 : vector<16xi1>, vector<16xf32>
    %swap3A_346 = arith.constant 96 : index
    %swap3A_347 = tpu.vector_load %arg20[%swap3A_346] {strides = array<i32>} : memref<128xf32, #tpu.memory_space<vmem>>, vector<16xf32>,
    %swap3A_348 = vector.shape_cast %swap3A_347 : vector<16xf32> to vector<16xf32>
    %swap3A_349 = vector.shape_cast %select_n3A_345 : vector<16xf32> to vector<16xf32>
    tpu.vector_store %arg20[%swap3A_346], %swap3A_349 {strides = array<i32>} : memref<128xf32, #tpu.memory_space<vmem>>, vector<16xf32>,
    %ne3A_350 = arith.cmpi ne, %get3A_315, %get3A_309 : vector<16xi32>
    %ne3A_351 = arith.cmpi ne, %get3A_315, %get3A_312 : vector<16xi32>
    %and3A_352 = arith.andi %ne3A_350, %ne3A_351 : vector<16xi1>
    %select_n3A_353 = arith.select %and3A_352, %broadcast_in_dim3A_3, %broadcast_in_dim3A_5 : vector<16xi1>, vector<16xf32>
    %swap3A_354 = arith.constant 96 : index
    %swap3A_355 = tpu.vector_load %arg21[%swap3A_354] {strides = array<i32>} : memref<128xf32, #tpu.memory_space<vmem>>, vector<16xf32>,
    %swap3A_356 = vector.shape_cast %swap3A_355 : vector<16xf32> to vector<16xf32>
    %swap3A_357 = vector.shape_cast %select_n3A_353 : vector<16xf32> to vector<16xf32>
    tpu.vector_store %arg21[%swap3A_354], %swap3A_357 {strides = array<i32>} : memref<128xf32, #tpu.memory_space<vmem>>, vector<16xf32>,
    %get3A_358 = arith.constant 112 : index
    %get3A_359 = tpu.vector_load %arg11[%get3A_358] {strides = array<i32>} : memref<128xi32, #tpu.memory_space<vmem>>, vector<16xi32>,
    %get3A_360 = vector.shape_cast %get3A_359 : vector<16xi32> to vector<16xi32>
    %get3A_361 = arith.constant 112 : index
    %get3A_362 = tpu.vector_load %arg12[%get3A_361] {strides = array<i32>} : memref<128xi32, #tpu.memory_space<vmem>>, vector<16xi32>,
    %get3A_363 = vector.shape_cast %get3A_362 : vector<16xi32> to vector<16xi32>
    %get3A_364 = arith.constant 112 : index
    %get3A_365 = tpu.vector_load %arg13[%get3A_364] {strides = array<i32>} : memref<128xi32, #tpu.memory_space<vmem>>, vector<16xi32>,
    %get3A_366 = vector.shape_cast %get3A_365 : vector<16xi32> to vector<16xi32>
    %add3A_367 = arith.constant 112 : i32
    %add3A_368 = arith.addi %mul3A_2, %add3A_367 : i32
    %add3A_369 = vector.broadcast %add3A_368 : i32 to vector<16xi32>
    %add3A_370 = arith.addi %add3A_369, %iota3A : vector<16xi32>
    %mul3A_371 = arith.constant 4096 : i32
    %mul3A_372 = vector.broadcast %mul3A_371 : i32 to vector<16xi32>
    %mul3A_373 = arith.muli %get3A_360, %mul3A_372 : vector<16xi32>
    %add3A_374 = arith.addi %mul3A_373, %add3A_370 : vector<16xi32>
    %swap3A_375 = arith.constant 112 : index
    %swap3A_376 = tpu.vector_load %arg14[%swap3A_375] {strides = array<i32>} : memref<128xi32, #tpu.memory_space<vmem>>, vector<16xi32>,
    %swap3A_377 = vector.shape_cast %swap3A_376 : vector<16xi32> to vector<16xi32>
    %swap3A_378 = vector.shape_cast %add3A_374 : vector<16xi32> to vector<16xi32>
    tpu.vector_store %arg14[%swap3A_375], %swap3A_378 {strides = array<i32>} : memref<128xi32, #tpu.memory_space<vmem>>, vector<16xi32>,
    %mul3A_379 = arith.constant 4096 : i32
    %mul3A_380 = vector.broadcast %mul3A_379 : i32 to vector<16xi32>
    %mul3A_381 = arith.muli %get3A_363, %mul3A_380 : vector<16xi32>
    %add3A_382 = arith.addi %mul3A_381, %add3A_370 : vector<16xi32>
    %swap3A_383 = arith.constant 112 : index
    %swap3A_384 = tpu.vector_load %arg15[%swap3A_383] {strides = array<i32>} : memref<128xi32, #tpu.memory_space<vmem>>, vector<16xi32>,
    %swap3A_385 = vector.shape_cast %swap3A_384 : vector<16xi32> to vector<16xi32>
    %swap3A_386 = vector.shape_cast %add3A_382 : vector<16xi32> to vector<16xi32>
    tpu.vector_store %arg15[%swap3A_383], %swap3A_386 {strides = array<i32>} : memref<128xi32, #tpu.memory_space<vmem>>, vector<16xi32>,
    %mul3A_387 = arith.constant 4096 : i32
    %mul3A_388 = vector.broadcast %mul3A_387 : i32 to vector<16xi32>
    %mul3A_389 = arith.muli %get3A_366, %mul3A_388 : vector<16xi32>
    %add3A_390 = arith.addi %mul3A_389, %add3A_370 : vector<16xi32>
    %swap3A_391 = arith.constant 112 : index
    %swap3A_392 = tpu.vector_load %arg16[%swap3A_391] {strides = array<i32>} : memref<128xi32, #tpu.memory_space<vmem>>, vector<16xi32>,
    %swap3A_393 = vector.shape_cast %swap3A_392 : vector<16xi32> to vector<16xi32>
    %swap3A_394 = vector.shape_cast %add3A_390 : vector<16xi32> to vector<16xi32>
    tpu.vector_store %arg16[%swap3A_391], %swap3A_394 {strides = array<i32>} : memref<128xi32, #tpu.memory_space<vmem>>, vector<16xi32>,
    %ne3A_395 = arith.cmpi ne, %get3A_363, %get3A_360 : vector<16xi32>
    %select_n3A_396 = arith.select %ne3A_395, %broadcast_in_dim3A_3, %broadcast_in_dim3A_5 : vector<16xi1>, vector<16xf32>
    %swap3A_397 = arith.constant 112 : index
    %swap3A_398 = tpu.vector_load %arg20[%swap3A_397] {strides = array<i32>} : memref<128xf32, #tpu.memory_space<vmem>>, vector<16xf32>,
    %swap3A_399 = vector.shape_cast %swap3A_398 : vector<16xf32> to vector<16xf32>
    %swap3A_400 = vector.shape_cast %select_n3A_396 : vector<16xf32> to vector<16xf32>
    tpu.vector_store %arg20[%swap3A_397], %swap3A_400 {strides = array<i32>} : memref<128xf32, #tpu.memory_space<vmem>>, vector<16xf32>,
    %ne3A_401 = arith.cmpi ne, %get3A_366, %get3A_360 : vector<16xi32>
    %ne3A_402 = arith.cmpi ne, %get3A_366, %get3A_363 : vector<16xi32>
    %and3A_403 = arith.andi %ne3A_401, %ne3A_402 : vector<16xi1>
    %select_n3A_404 = arith.select %and3A_403, %broadcast_in_dim3A_3, %broadcast_in_dim3A_5 : vector<16xi1>, vector<16xf32>
    %swap3A_405 = arith.constant 112 : index
    %swap3A_406 = tpu.vector_load %arg21[%swap3A_405] {strides = array<i32>} : memref<128xf32, #tpu.memory_space<vmem>>, vector<16xf32>,
    %swap3A_407 = vector.shape_cast %swap3A_406 : vector<16xf32> to vector<16xf32>
    %swap3A_408 = vector.shape_cast %select_n3A_404 : vector<16xf32> to vector<16xf32>
    tpu.vector_store %arg21[%swap3A_405], %swap3A_408 {strides = array<i32>} : memref<128xf32, #tpu.memory_space<vmem>>, vector<16xf32>,
    %dma_start3A = arith.constant 0 : i32
    %dma_start3A_409 = tpu.memref_slice %arg2[%dma_start3A] : memref<40960000xf32, #tpu.memory_space<hbm>> -> memref<40960000xf32, #tpu.memory_space<hbm>>
    tpu.enqueue_indirect_dma source(%dma_start3A_409 : memref<40960000xf32, #tpu.memory_space<hbm>>) target(%arg17 : memref<128xf32, #tpu.memory_space<vmem>>) offsets(%arg14 : memref<128xi32, #tpu.memory_space<vmem>>) semaphore(%arg22 : memref<!tpu.dma_semaphore, #tpu.memory_space<semaphore_mem>>)
    %dma_wait3A = arith.constant 0 : i32
    %dma_wait3A_410 = tpu.memref_slice %arg2[%dma_wait3A] : memref<40960000xf32, #tpu.memory_space<hbm>> -> memref<40960000xf32, #tpu.memory_space<hbm>>
    tpu.wait_indirect_dma semaphore(%arg22 : memref<!tpu.dma_semaphore, #tpu.memory_space<semaphore_mem>>) src(%dma_wait3A_410 : memref<40960000xf32, #tpu.memory_space<hbm>>) dst(%arg17 : memref<128xf32, #tpu.memory_space<vmem>>)
    %dma_start3A_411 = arith.constant 0 : i32
    %dma_start3A_412 = tpu.memref_slice %arg2[%dma_start3A_411] : memref<40960000xf32, #tpu.memory_space<hbm>> -> memref<40960000xf32, #tpu.memory_space<hbm>>
    tpu.enqueue_indirect_dma source(%dma_start3A_412 : memref<40960000xf32, #tpu.memory_space<hbm>>) target(%arg18 : memref<128xf32, #tpu.memory_space<vmem>>) offsets(%arg15 : memref<128xi32, #tpu.memory_space<vmem>>) semaphore(%arg22 : memref<!tpu.dma_semaphore, #tpu.memory_space<semaphore_mem>>)
    %dma_wait3A_413 = arith.constant 0 : i32
    %dma_wait3A_414 = tpu.memref_slice %arg2[%dma_wait3A_413] : memref<40960000xf32, #tpu.memory_space<hbm>> -> memref<40960000xf32, #tpu.memory_space<hbm>>
    tpu.wait_indirect_dma semaphore(%arg22 : memref<!tpu.dma_semaphore, #tpu.memory_space<semaphore_mem>>) src(%dma_wait3A_414 : memref<40960000xf32, #tpu.memory_space<hbm>>) dst(%arg18 : memref<128xf32, #tpu.memory_space<vmem>>)
    %dma_start3A_415 = arith.constant 0 : i32
    %dma_start3A_416 = tpu.memref_slice %arg2[%dma_start3A_415] : memref<40960000xf32, #tpu.memory_space<hbm>> -> memref<40960000xf32, #tpu.memory_space<hbm>>
    tpu.enqueue_indirect_dma source(%dma_start3A_416 : memref<40960000xf32, #tpu.memory_space<hbm>>) target(%arg19 : memref<128xf32, #tpu.memory_space<vmem>>) offsets(%arg16 : memref<128xi32, #tpu.memory_space<vmem>>) semaphore(%arg22 : memref<!tpu.dma_semaphore, #tpu.memory_space<semaphore_mem>>)
    %dma_wait3A_417 = arith.constant 0 : i32
    %dma_wait3A_418 = tpu.memref_slice %arg2[%dma_wait3A_417] : memref<40960000xf32, #tpu.memory_space<hbm>> -> memref<40960000xf32, #tpu.memory_space<hbm>>
    tpu.wait_indirect_dma semaphore(%arg22 : memref<!tpu.dma_semaphore, #tpu.memory_space<semaphore_mem>>) src(%dma_wait3A_418 : memref<40960000xf32, #tpu.memory_space<hbm>>) dst(%arg19 : memref<128xf32, #tpu.memory_space<vmem>>)
    "tpu.region"() ({
      %run_scoped3A = tpu.sem_alloc : memref<!tpu.dma_semaphore, #tpu.memory_space<semaphore_mem>>
      %dma_start3A_419 = tpu.memref_slice %arg6[%mul3A_2] : memref<4096xf32, #tpu.memory_space<hbm>> -> memref<128xf32, #tpu.memory_space<hbm>>
      %dma_start3A_420 = tpu.memref_slice %arg6[%mul3A_2] : memref<4096xf32, #tpu.memory_space<hbm>> -> memref<128xf32, #tpu.memory_space<hbm>>
      tpu.enqueue_dma source(%arg17 : memref<128xf32, #tpu.memory_space<vmem>>) target(%dma_start3A_420 : memref<128xf32, #tpu.memory_space<hbm>>) target_semaphore(%run_scoped3A : memref<!tpu.dma_semaphore, #tpu.memory_space<semaphore_mem>>)
      %dma_wait3A_421 = tpu.memref_slice %arg6[%mul3A_2] : memref<4096xf32, #tpu.memory_space<hbm>> -> memref<128xf32, #tpu.memory_space<hbm>>
      %dma_wait3A_422 = tpu.memref_slice %arg6[%mul3A_2] : memref<4096xf32, #tpu.memory_space<hbm>> -> memref<128xf32, #tpu.memory_space<hbm>>
      tpu.wait_dma2 semaphore(%run_scoped3A : memref<!tpu.dma_semaphore, #tpu.memory_space<semaphore_mem>>) src(%arg17 : memref<128xf32, #tpu.memory_space<vmem>>) dst(%dma_wait3A_422 : memref<128xf32, #tpu.memory_space<hbm>>)
      tpu.yield
    }) : () -> ()
    "tpu.region"() ({
      %run_scoped3A = tpu.sem_alloc : memref<!tpu.dma_semaphore, #tpu.memory_space<semaphore_mem>>
      %dma_start3A_419 = tpu.memref_slice %arg7[%mul3A_2] : memref<4096xf32, #tpu.memory_space<hbm>> -> memref<128xf32, #tpu.memory_space<hbm>>
      %dma_start3A_420 = tpu.memref_slice %arg7[%mul3A_2] : memref<4096xf32, #tpu.memory_space<hbm>> -> memref<128xf32, #tpu.memory_space<hbm>>
      tpu.enqueue_dma source(%arg18 : memref<128xf32, #tpu.memory_space<vmem>>) target(%dma_start3A_420 : memref<128xf32, #tpu.memory_space<hbm>>) target_semaphore(%run_scoped3A : memref<!tpu.dma_semaphore, #tpu.memory_space<semaphore_mem>>)
      %dma_wait3A_421 = tpu.memref_slice %arg7[%mul3A_2] : memref<4096xf32, #tpu.memory_space<hbm>> -> memref<128xf32, #tpu.memory_space<hbm>>
      %dma_wait3A_422 = tpu.memref_slice %arg7[%mul3A_2] : memref<4096xf32, #tpu.memory_space<hbm>> -> memref<128xf32, #tpu.memory_space<hbm>>
      tpu.wait_dma2 semaphore(%run_scoped3A : memref<!tpu.dma_semaphore, #tpu.memory_space<semaphore_mem>>) src(%arg18 : memref<128xf32, #tpu.memory_space<vmem>>) dst(%dma_wait3A_422 : memref<128xf32, #tpu.memory_space<hbm>>)
      tpu.yield
    }) : () -> ()
    "tpu.region"() ({
      %run_scoped3A = tpu.sem_alloc : memref<!tpu.dma_semaphore, #tpu.memory_space<semaphore_mem>>
      %dma_start3A_419 = tpu.memref_slice %arg8[%mul3A_2] : memref<4096xf32, #tpu.memory_space<hbm>> -> memref<128xf32, #tpu.memory_space<hbm>>
      %dma_start3A_420 = tpu.memref_slice %arg8[%mul3A_2] : memref<4096xf32, #tpu.memory_space<hbm>> -> memref<128xf32, #tpu.memory_space<hbm>>
      tpu.enqueue_dma source(%arg19 : memref<128xf32, #tpu.memory_space<vmem>>) target(%dma_start3A_420 : memref<128xf32, #tpu.memory_space<hbm>>) target_semaphore(%run_scoped3A : memref<!tpu.dma_semaphore, #tpu.memory_space<semaphore_mem>>)
      %dma_wait3A_421 = tpu.memref_slice %arg8[%mul3A_2] : memref<4096xf32, #tpu.memory_space<hbm>> -> memref<128xf32, #tpu.memory_space<hbm>>
      %dma_wait3A_422 = tpu.memref_slice %arg8[%mul3A_2] : memref<4096xf32, #tpu.memory_space<hbm>> -> memref<128xf32, #tpu.memory_space<hbm>>
      tpu.wait_dma2 semaphore(%run_scoped3A : memref<!tpu.dma_semaphore, #tpu.memory_space<semaphore_mem>>) src(%arg19 : memref<128xf32, #tpu.memory_space<vmem>>) dst(%dma_wait3A_422 : memref<128xf32, #tpu.memory_space<hbm>>)
      tpu.yield
    }) : () -> ()
    "tpu.region"() ({
      %run_scoped3A = tpu.sem_alloc : memref<!tpu.dma_semaphore, #tpu.memory_space<semaphore_mem>>
      %dma_start3A_419 = tpu.memref_slice %arg9[%mul3A_2] : memref<4096xf32, #tpu.memory_space<hbm>> -> memref<128xf32, #tpu.memory_space<hbm>>
      %dma_start3A_420 = tpu.memref_slice %arg9[%mul3A_2] : memref<4096xf32, #tpu.memory_space<hbm>> -> memref<128xf32, #tpu.memory_space<hbm>>
      tpu.enqueue_dma source(%arg20 : memref<128xf32, #tpu.memory_space<vmem>>) target(%dma_start3A_420 : memref<128xf32, #tpu.memory_space<hbm>>) target_semaphore(%run_scoped3A : memref<!tpu.dma_semaphore, #tpu.memory_space<semaphore_mem>>)
      %dma_wait3A_421 = tpu.memref_slice %arg9[%mul3A_2] : memref<4096xf32, #tpu.memory_space<hbm>> -> memref<128xf32, #tpu.memory_space<hbm>>
      %dma_wait3A_422 = tpu.memref_slice %arg9[%mul3A_2] : memref<4096xf32, #tpu.memory_space<hbm>> -> memref<128xf32, #tpu.memory_space<hbm>>
      tpu.wait_dma2 semaphore(%run_scoped3A : memref<!tpu.dma_semaphore, #tpu.memory_space<semaphore_mem>>) src(%arg20 : memref<128xf32, #tpu.memory_space<vmem>>) dst(%dma_wait3A_422 : memref<128xf32, #tpu.memory_space<hbm>>)
      tpu.yield
    }) : () -> ()
    "tpu.region"() ({
      %run_scoped3A = tpu.sem_alloc : memref<!tpu.dma_semaphore, #tpu.memory_space<semaphore_mem>>
      %dma_start3A_419 = tpu.memref_slice %arg10[%mul3A_2] : memref<4096xf32, #tpu.memory_space<hbm>> -> memref<128xf32, #tpu.memory_space<hbm>>
      %dma_start3A_420 = tpu.memref_slice %arg10[%mul3A_2] : memref<4096xf32, #tpu.memory_space<hbm>> -> memref<128xf32, #tpu.memory_space<hbm>>
      tpu.enqueue_dma source(%arg21 : memref<128xf32, #tpu.memory_space<vmem>>) target(%dma_start3A_420 : memref<128xf32, #tpu.memory_space<hbm>>) target_semaphore(%run_scoped3A : memref<!tpu.dma_semaphore, #tpu.memory_space<semaphore_mem>>)
      %dma_wait3A_421 = tpu.memref_slice %arg10[%mul3A_2] : memref<4096xf32, #tpu.memory_space<hbm>> -> memref<128xf32, #tpu.memory_space<hbm>>
      %dma_wait3A_422 = tpu.memref_slice %arg10[%mul3A_2] : memref<4096xf32, #tpu.memory_space<hbm>> -> memref<128xf32, #tpu.memory_space<hbm>>
      tpu.wait_dma2 semaphore(%run_scoped3A : memref<!tpu.dma_semaphore, #tpu.memory_space<semaphore_mem>>) src(%arg21 : memref<128xf32, #tpu.memory_space<vmem>>) dst(%dma_wait3A_422 : memref<128xf32, #tpu.memory_space<hbm>>)
      tpu.yield
    }) : () -> ()
    return
  }
}

module attributes {stable_mosaic.version = 14 : i64} {
  func.func @_dense_body(%arg0: i32, %arg1: memref<625x32x128xf32, #tpu.memory_space<vmem>>, %arg2: memref<32x128xf32, #tpu.memory_space<vmem>>, %arg3: memref<32x128xf32, #tpu.memory_space<vmem>>, %arg4: memref<32x128xf32, #tpu.memory_space<vmem>>, %arg5: memref<32x128xf32, #tpu.memory_space<vmem>>, %arg6: memref<32x128xf32, #tpu.memory_space<vmem>>, %arg7: memref<1x1xf32, #tpu.memory_space<vmem>>, %arg8: memref<32x128xf32, #tpu.memory_space<vmem>>) attributes {dimension_semantics = [#tpu.dimension_semantics<arbitrary>], iteration_bounds = array<i64: 16>, scalar_prefetch = 0 : i64, scratch_operands = 1 : i64, tpu.core_type = #tpu.core_type<tc>, window_params = [{transform_indices = @transform_0, window_bounds = array<i64: 625, 32, 128>}, {pipeline_mode = #tpu.pipeline_mode<synchronous>, transform_indices = @transform_1, window_bounds = array<i64: 32, 128>}, {pipeline_mode = #tpu.pipeline_mode<synchronous>, transform_indices = @transform_2, window_bounds = array<i64: 32, 128>}, {pipeline_mode = #tpu.pipeline_mode<synchronous>, transform_indices = @transform_3, window_bounds = array<i64: 32, 128>}, {pipeline_mode = #tpu.pipeline_mode<synchronous>, transform_indices = @transform_4, window_bounds = array<i64: 32, 128>}, {pipeline_mode = #tpu.pipeline_mode<synchronous>, transform_indices = @transform_5, window_bounds = array<i64: 32, 128>}, {pipeline_mode = #tpu.pipeline_mode<synchronous>, transform_indices = @transform_6, window_bounds = array<i64: 1, 1>}]} {
    %broadcast_in_dim3A = arith.constant 0.000000e+00 : f32
    %broadcast_in_dim3A_0 = vector.broadcast %broadcast_in_dim3A : f32 to vector<32x128xf32>
    %scan3A = arith.constant 0 : i32
    %scan3A_1 = arith.constant 625 : i32
    %scan3A_2 = arith.addi %scan3A, %scan3A_1 : i32
    %scan3A_3 = arith.constant 1 : i32
    %scan3A_4 = scf.for %scan3A_17 = %scan3A to %scan3A_2 step %scan3A_3 iter_args(%scan3A_18 = %broadcast_in_dim3A_0) -> (vector<32x128xf32>)  : i32 {
      %get3A_19 = arith.index_cast %scan3A_17 : i32 to index
      %get3A_20 = arith.constant 0 : index
      %get3A_21 = arith.constant 0 : index
      %get3A_22 = vector.load %arg1[%get3A_19, %get3A_20, %get3A_21] : memref<625x32x128xf32, #tpu.memory_space<vmem>>, vector<1x32x128xf32>
      %get3A_23 = vector.shape_cast %get3A_22 : vector<1x32x128xf32> to vector<32x128xf32>
      %neg3A = arith.constant 0.000000e+00 : f32
      %neg3A_24 = vector.broadcast %neg3A : f32 to vector<32x128xf32>
      %neg3A_25 = arith.subf %neg3A_24, %get3A_23 : vector<32x128xf32>
      %custom_jvp_call3A = arith.constant 0.000000e+00 : f32
      %max3A = vector.broadcast %custom_jvp_call3A : f32 to vector<32x128xf32>
      %max3A_26 = arith.maximumf %neg3A_25, %max3A : vector<32x128xf32>
      %sub3A = vector.broadcast %custom_jvp_call3A : f32 to vector<32x128xf32>
      %sub3A_27 = arith.subf %neg3A_25, %sub3A : vector<32x128xf32>
      %ne3A = arith.cmpf one, %sub3A_27, %sub3A_27 : vector<32x128xf32>
      %add3A_28 = vector.broadcast %custom_jvp_call3A : f32 to vector<32x128xf32>
      %add3A_29 = arith.addf %neg3A_25, %add3A_28 : vector<32x128xf32>
      %abs3A = math.absf %sub3A_27 : vector<32x128xf32>
      %neg3A_30 = arith.constant 0.000000e+00 : f32
      %neg3A_31 = vector.broadcast %neg3A_30 : f32 to vector<32x128xf32>
      %neg3A_32 = arith.subf %neg3A_31, %abs3A : vector<32x128xf32>
      %exp3A = math.exp %neg3A_32 : vector<32x128xf32>
      %log1p3A = math.log1p %exp3A : vector<32x128xf32>
      %add3A_33 = arith.addf %max3A_26, %log1p3A : vector<32x128xf32>
      %select_n3A = arith.select %ne3A, %add3A_29, %add3A_33 : vector<32x128xi1>, vector<32x128xf32>
      %neg3A_34 = arith.constant 0.000000e+00 : f32
      %neg3A_35 = vector.broadcast %neg3A_34 : f32 to vector<32x128xf32>
      %neg3A_36 = arith.subf %neg3A_35, %select_n3A : vector<32x128xf32>
      %div3A = arith.constant 1.000000e+00 : f32
      %div3A_37 = vector.broadcast %div3A : f32 to vector<32x128xf32>
      %div3A_38 = arith.divf %div3A_37, %neg3A_36 : vector<32x128xf32>
      %add3A_39 = arith.addf %scan3A_18, %div3A_38 : vector<32x128xf32>
      scf.yield %add3A_39 : vector<32x128xf32>
    }
    %scan3A_5 = arith.constant 625 : i32
    %eq3A = arith.constant 0 : i32
    %eq3A_6 = arith.cmpi eq, %arg0, %eq3A : i32
    %convert_element_type3A = arith.extui %eq3A_6 : i1 to i32
    %cond3A = arith.constant 0 : i32
    %cond3A_7 = arith.cmpi ne, %convert_element_type3A, %cond3A : i32
    scf.if %cond3A_7 {
      %broadcast_in_dim3A_17 = arith.constant 0.000000e+00 : f32
      %broadcast_in_dim3A_18 = vector.broadcast %broadcast_in_dim3A_17 : f32 to vector<32x128xf32>
      %swap3A_19 = arith.constant 0 : index
      %swap3A_20 = arith.constant 0 : index
      %swap3A_21 = vector.load %arg8[%swap3A_19, %swap3A_20] : memref<32x128xf32, #tpu.memory_space<vmem>>, vector<32x128xf32>
      tpu.vector_store %arg8[%swap3A_19, %swap3A_20], %broadcast_in_dim3A_18 {strides = array<i32>} : memref<32x128xf32, #tpu.memory_space<vmem>>, vector<32x128xf32>,
    } else {
    }
    %get3A = arith.constant 0 : index
    %get3A_8 = arith.constant 0 : index
    %get3A_9 = vector.load %arg8[%get3A, %get3A_8] : memref<32x128xf32, #tpu.memory_space<vmem>>, vector<32x128xf32>
    %add3A = arith.addf %get3A_9, %scan3A_4 : vector<32x128xf32>
    %swap3A = arith.constant 0 : index
    %swap3A_10 = arith.constant 0 : index
    %swap3A_11 = vector.load %arg8[%swap3A, %swap3A_10] : memref<32x128xf32, #tpu.memory_space<vmem>>, vector<32x128xf32>
    tpu.vector_store %arg8[%swap3A, %swap3A_10], %add3A {strides = array<i32>} : memref<32x128xf32, #tpu.memory_space<vmem>>, vector<32x128xf32>,
    %eq3A_12 = arith.constant 15 : i32
    %eq3A_13 = arith.cmpi eq, %arg0, %eq3A_12 : i32
    %convert_element_type3A_14 = arith.extui %eq3A_13 : i1 to i32
    %cond3A_15 = arith.constant 0 : i32
    %cond3A_16 = arith.cmpi ne, %convert_element_type3A_14, %cond3A_15 : i32
    scf.if %cond3A_16 {
      %get3A_17 = arith.constant 0 : index
      %get3A_18 = arith.constant 0 : index
      %get3A_19 = vector.load %arg2[%get3A_17, %get3A_18] : memref<32x128xf32, #tpu.memory_space<vmem>>, vector<32x128xf32>
      %neg3A = arith.constant 0.000000e+00 : f32
      %neg3A_20 = vector.broadcast %neg3A : f32 to vector<32x128xf32>
      %neg3A_21 = arith.subf %neg3A_20, %get3A_19 : vector<32x128xf32>
      %custom_jvp_call3A = arith.constant 0.000000e+00 : f32
      %max3A = vector.broadcast %custom_jvp_call3A : f32 to vector<32x128xf32>
      %max3A_22 = arith.maximumf %neg3A_21, %max3A : vector<32x128xf32>
      %sub3A = vector.broadcast %custom_jvp_call3A : f32 to vector<32x128xf32>
      %sub3A_23 = arith.subf %neg3A_21, %sub3A : vector<32x128xf32>
      %ne3A = arith.cmpf one, %sub3A_23, %sub3A_23 : vector<32x128xf32>
      %add3A_24 = vector.broadcast %custom_jvp_call3A : f32 to vector<32x128xf32>
      %add3A_25 = arith.addf %neg3A_21, %add3A_24 : vector<32x128xf32>
      %abs3A = math.absf %sub3A_23 : vector<32x128xf32>
      %neg3A_26 = arith.constant 0.000000e+00 : f32
      %neg3A_27 = vector.broadcast %neg3A_26 : f32 to vector<32x128xf32>
      %neg3A_28 = arith.subf %neg3A_27, %abs3A : vector<32x128xf32>
      %exp3A = math.exp %neg3A_28 : vector<32x128xf32>
      %log1p3A = math.log1p %exp3A : vector<32x128xf32>
      %add3A_29 = arith.addf %max3A_22, %log1p3A : vector<32x128xf32>
      %select_n3A = arith.select %ne3A, %add3A_25, %add3A_29 : vector<32x128xi1>, vector<32x128xf32>
      %neg3A_30 = arith.constant 0.000000e+00 : f32
      %neg3A_31 = vector.broadcast %neg3A_30 : f32 to vector<32x128xf32>
      %neg3A_32 = arith.subf %neg3A_31, %select_n3A : vector<32x128xf32>
      %get3A_33 = arith.constant 0 : index
      %get3A_34 = arith.constant 0 : index
      %get3A_35 = vector.load %arg3[%get3A_33, %get3A_34] : memref<32x128xf32, #tpu.memory_space<vmem>>, vector<32x128xf32>
      %neg3A_36 = arith.constant 0.000000e+00 : f32
      %neg3A_37 = vector.broadcast %neg3A_36 : f32 to vector<32x128xf32>
      %neg3A_38 = arith.subf %neg3A_37, %get3A_35 : vector<32x128xf32>
      %custom_jvp_call3A_39 = arith.constant 0.000000e+00 : f32
      %max3A_40 = vector.broadcast %custom_jvp_call3A_39 : f32 to vector<32x128xf32>
      %max3A_41 = arith.maximumf %neg3A_38, %max3A_40 : vector<32x128xf32>
      %sub3A_42 = vector.broadcast %custom_jvp_call3A_39 : f32 to vector<32x128xf32>
      %sub3A_43 = arith.subf %neg3A_38, %sub3A_42 : vector<32x128xf32>
      %ne3A_44 = arith.cmpf one, %sub3A_43, %sub3A_43 : vector<32x128xf32>
      %add3A_45 = vector.broadcast %custom_jvp_call3A_39 : f32 to vector<32x128xf32>
      %add3A_46 = arith.addf %neg3A_38, %add3A_45 : vector<32x128xf32>
      %abs3A_47 = math.absf %sub3A_43 : vector<32x128xf32>
      %neg3A_48 = arith.constant 0.000000e+00 : f32
      %neg3A_49 = vector.broadcast %neg3A_48 : f32 to vector<32x128xf32>
      %neg3A_50 = arith.subf %neg3A_49, %abs3A_47 : vector<32x128xf32>
      %exp3A_51 = math.exp %neg3A_50 : vector<32x128xf32>
      %log1p3A_52 = math.log1p %exp3A_51 : vector<32x128xf32>
      %add3A_53 = arith.addf %max3A_41, %log1p3A_52 : vector<32x128xf32>
      %select_n3A_54 = arith.select %ne3A_44, %add3A_46, %add3A_53 : vector<32x128xi1>, vector<32x128xf32>
      %neg3A_55 = arith.constant 0.000000e+00 : f32
      %neg3A_56 = vector.broadcast %neg3A_55 : f32 to vector<32x128xf32>
      %neg3A_57 = arith.subf %neg3A_56, %select_n3A_54 : vector<32x128xf32>
      %get3A_58 = arith.constant 0 : index
      %get3A_59 = arith.constant 0 : index
      %get3A_60 = vector.load %arg4[%get3A_58, %get3A_59] : memref<32x128xf32, #tpu.memory_space<vmem>>, vector<32x128xf32>
      %neg3A_61 = arith.constant 0.000000e+00 : f32
      %neg3A_62 = vector.broadcast %neg3A_61 : f32 to vector<32x128xf32>
      %neg3A_63 = arith.subf %neg3A_62, %get3A_60 : vector<32x128xf32>
      %custom_jvp_call3A_64 = arith.constant 0.000000e+00 : f32
      %max3A_65 = vector.broadcast %custom_jvp_call3A_64 : f32 to vector<32x128xf32>
      %max3A_66 = arith.maximumf %neg3A_63, %max3A_65 : vector<32x128xf32>
      %sub3A_67 = vector.broadcast %custom_jvp_call3A_64 : f32 to vector<32x128xf32>
      %sub3A_68 = arith.subf %neg3A_63, %sub3A_67 : vector<32x128xf32>
      %ne3A_69 = arith.cmpf one, %sub3A_68, %sub3A_68 : vector<32x128xf32>
      %add3A_70 = vector.broadcast %custom_jvp_call3A_64 : f32 to vector<32x128xf32>
      %add3A_71 = arith.addf %neg3A_63, %add3A_70 : vector<32x128xf32>
      %abs3A_72 = math.absf %sub3A_68 : vector<32x128xf32>
      %neg3A_73 = arith.constant 0.000000e+00 : f32
      %neg3A_74 = vector.broadcast %neg3A_73 : f32 to vector<32x128xf32>
      %neg3A_75 = arith.subf %neg3A_74, %abs3A_72 : vector<32x128xf32>
      %exp3A_76 = math.exp %neg3A_75 : vector<32x128xf32>
      %log1p3A_77 = math.log1p %exp3A_76 : vector<32x128xf32>
      %add3A_78 = arith.addf %max3A_66, %log1p3A_77 : vector<32x128xf32>
      %select_n3A_79 = arith.select %ne3A_69, %add3A_71, %add3A_78 : vector<32x128xi1>, vector<32x128xf32>
      %neg3A_80 = arith.constant 0.000000e+00 : f32
      %neg3A_81 = vector.broadcast %neg3A_80 : f32 to vector<32x128xf32>
      %neg3A_82 = arith.subf %neg3A_81, %select_n3A_79 : vector<32x128xf32>
      %get3A_83 = arith.constant 0 : index
      %get3A_84 = arith.constant 0 : index
      %get3A_85 = vector.load %arg5[%get3A_83, %get3A_84] : memref<32x128xf32, #tpu.memory_space<vmem>>, vector<32x128xf32>
      %mul3A = arith.mulf %get3A_85, %neg3A_57 : vector<32x128xf32>
      %add3A_86 = arith.addf %neg3A_32, %mul3A : vector<32x128xf32>
      %get3A_87 = arith.constant 0 : index
      %get3A_88 = arith.constant 0 : index
      %get3A_89 = vector.load %arg6[%get3A_87, %get3A_88] : memref<32x128xf32, #tpu.memory_space<vmem>>, vector<32x128xf32>
      %mul3A_90 = arith.mulf %get3A_89, %neg3A_82 : vector<32x128xf32>
      %add3A_91 = arith.addf %add3A_86, %mul3A_90 : vector<32x128xf32>
      %max3A_92 = arith.constant 9.99999997E-7 : f32
      %max3A_93 = vector.broadcast %max3A_92 : f32 to vector<32x128xf32>
      %max3A_94 = arith.maximumf %add3A_91, %max3A_93 : vector<32x128xf32>
      %get3A_95 = arith.constant 0 : index
      %get3A_96 = arith.constant 0 : index
      %get3A_97 = vector.load %arg8[%get3A_95, %get3A_96] : memref<32x128xf32, #tpu.memory_space<vmem>>, vector<32x128xf32>
      %mul3A_98 = arith.mulf %max3A_94, %get3A_97 : vector<32x128xf32>
      %reduce_sum3A = vector.shape_cast %mul3A_98 : vector<32x128xf32> to vector<1x32x128xf32>
      %reduce_sum3A_99 = arith.constant dense<0.000000e+00> : vector<1xf32>
      %reduce_sum3A_100 = vector.multi_reduction <add>, %reduce_sum3A, %reduce_sum3A_99 [1, 2] : vector<1x32x128xf32> to vector<1xf32>
      %reduce_sum3A_101 = vector.shape_cast %reduce_sum3A_100 : vector<1xf32> to vector<1x1x1xf32>
      %reduce_sum3A_102 = vector.extract %reduce_sum3A_101[0, 0, 0] : f32 from vector<1x1x1xf32>
      %neg3A_103 = arith.constant 0.000000e+00 : f32
      %neg3A_104 = arith.subf %neg3A_103, %reduce_sum3A_102 : f32
      %div3A = arith.constant 4.096000e+03 : f32
      %div3A_105 = arith.divf %neg3A_104, %div3A : f32
      %reshape3A = vector.broadcast %div3A_105 : f32 to vector<1x1xf32>
      %swap3A_106 = arith.constant 0 : index
      %swap3A_107 = arith.constant 0 : index
      %swap3A_108 = vector.load %arg7[%swap3A_106, %swap3A_107] : memref<1x1xf32, #tpu.memory_space<vmem>>, vector<1x1xf32>
      tpu.vector_store %arg7[%swap3A_106, %swap3A_107], %reshape3A {strides = array<i32>} : memref<1x1xf32, #tpu.memory_space<vmem>>, vector<1x1xf32>,
    } else {
    }
    return
  }
  func.func @transform_0(%arg0: i32) -> (i32, i32, i32) {
    %c0_i32 = arith.constant 0 : i32
    %c0_i32_0 = arith.constant 0 : i32
    %c0_i32_1 = arith.constant 0 : i32
    return %arg0, %c0_i32, %c0_i32_0 : i32, i32, i32
  }
  func.func @transform_1(%arg0: i32) -> (i32, i32) {
    %c0_i32 = arith.constant 0 : i32
    %c0_i32_0 = arith.constant 0 : i32
    %c0_i32_1 = arith.constant 0 : i32
    return %c0_i32, %c0_i32_0 : i32, i32
  }
  func.func @transform_2(%arg0: i32) -> (i32, i32) {
    %c0_i32 = arith.constant 0 : i32
    %c0_i32_0 = arith.constant 0 : i32
    %c0_i32_1 = arith.constant 0 : i32
    return %c0_i32, %c0_i32_0 : i32, i32
  }
  func.func @transform_3(%arg0: i32) -> (i32, i32) {
    %c0_i32 = arith.constant 0 : i32
    %c0_i32_0 = arith.constant 0 : i32
    %c0_i32_1 = arith.constant 0 : i32
    return %c0_i32, %c0_i32_0 : i32, i32
  }
  func.func @transform_4(%arg0: i32) -> (i32, i32) {
    %c0_i32 = arith.constant 0 : i32
    %c0_i32_0 = arith.constant 0 : i32
    %c0_i32_1 = arith.constant 0 : i32
    return %c0_i32, %c0_i32_0 : i32, i32
  }
  func.func @transform_5(%arg0: i32) -> (i32, i32) {
    %c0_i32 = arith.constant 0 : i32
    %c0_i32_0 = arith.constant 0 : i32
    %c0_i32_1 = arith.constant 0 : i32
    return %c0_i32, %c0_i32_0 : i32, i32
  }
  func.func @transform_6(%arg0: i32) -> (i32, i32) {
    %c0_i32 = arith.constant 0 : i32
    %c0_i32_0 = arith.constant 0 : i32
    %c0_i32_1 = arith.constant 0 : i32
    return %c0_i32, %c0_i32_0 : i32, i32
  }
}

</mosaic_0001>

<sc_bundles>
// kernel: kernel.4.cloned.1.call-start
scs
__scs_entry_jumppad:
0x0: {  	(pc) =	sbr.rel $0x88, $3  }
0x1: {  	(tag) =	ssettag $0x0;
	lr =	simm.s32 $0x1  }
0x2: {  	[smem:$0x3F9F] =	sst lr;
	_ =	strace $0xD0000000  }
0x3: {  	_ = 	snop  }
0x4: {  	_ = 	snop  }
0x5: {  	_ = 	snop  }
0x6: {  	_ = 	snop  }
0x7: {  	_ = 	snop  }
__scs_overlays_trampoline_lowered:
0x8: {  	[smem:$0x3FAE] =	sst s0  }
0x9: {  	[smem:$0x3FAF] =	sst s1  }
0xa: {  	[smem:$0x3FB0] =	sst s2  }
0xb: {  	[smem:$0x3FB1] =	sst s3  }
0xc: {  	[smem:$0x3FB2] =	sst s4  }
0xd: {  	[smem:$0x3FB3] =	sst s5  }
0xe: {  	[smem:$0x3FB4] =	sst s6  }
0xf: {  	[smem:$0x3FB5] =	sst s7  }
0x10: {  	[smem:$0x3FB6] =	sst s8  }
0x11: {  	[smem:$0x3FB7] =	sst s9;
	s0 =	simm.s32 @!p0 $0x0  }
0x12: {  	s1 =	sld [smem:$0x3F9D];
	s0 =	simm.s32 @p0 $0x1  }
0x13: {  	[smem:$0x3FB8] =	sst s0;
	s0 =	simm.s32 @!p1 $0x0  }
0x14: {  	s2 =	sld [smem:$0x3F9C];
	s0 =	simm.s32 @p1 $0x1  }
0x15: {  	[smem:$0x3FB9] =	sst s0;
	s0 =	simm.s32 @!p2 $0x0  }
0x16: {  	s3 =	sld [smem:$0x3FDB];
	s0 =	simm.s32 @p2 $0x1  }
0x17: {  	s4 =	simm.s32 $0x1BF5;
	[smem:$0x3FBB] =	sst s0  }
0x18: {  	s0 =	sld [smem:$0x3F9E];
	_ =	swait.ge [sflag:s4], $0x0  }
0x19: {  	s7 =	sld [smem:$0x3F9F]  }
0x1a: {  	s8 =	sadd.s32 $0xFFFFE003, lr  }
0x1b: {  	s9 =	sadd.s32 $0xFFFFFEF7, lr;
	s5 =	simm.s32 $0xFFFFFFFF;
	p2 =	slt.u32 s8, $0xFFFFF086  }
0x1c: {  	p1 =	slt.u32 s9, $0xF7A;
	s5 =	simm.s32 @!p2 $0x0  }
0x1d: {  	s5 =	simm.s32 @p1 $0x1;
	p0 =	seq.s32 s7, s2  }
0x1e: {  	s7 =	smul.u32 @!p0 $0xF7A, s2;
	p2 =	seq.s32 @!p0 s5, $0x0  }
0x1f: {  	s9 =	smul.u32 $0xF7A, s1;
	s8 =	simm.s32 @!p0 $0x1BF5;
	p2 =	por !p2, p0  }
0x20: {  	[sflag:s8] =	ssyncset.s32 @!p0 $0xFFFFF086;
	s6 =	sadd.s32 @!p0 s3, s7;
	s7 =	simm.s32 @!p0 $0x108  }
0x21: {  	s3 =	sadd.s32 s3, s9;
	s6 =	sadd.s32 @!p0 $0x88, s6;
	s7 =	simm.s32 @p2 $0x1082  }
0x22: {  	[simem:s7], [sflag:s8] =	dma.local @!p0 [hbm:s6], $0xF7A  }
0x23: {  	s9 =	sor.u32 $0xD0000000, s2;
	s6 =	simm.s32 $0x108;
	_ =	swait.ge @!p0 [sflag:s8], $0x0  }
0x24: {  	s3 =	sadd.s32 $0x88, s3;
	s6 =	simm.s32 @!p1 $0x1082;
	[sflag:s4] =	ssyncset.s32 $0xFFFFF086  }
0x25: {  	[simem:s6], [sflag:s4] =	dma.local [hbm:s3], $0xF7A  }
0x26: {  	[smem:$0x3F9F] =	sst s1;
	(tag) =	ssettag s2;
	_ =	strace s9  }
0x27: {  	s1 =	sld [smem:$0x3FAF]  }
0x28: {  	s2 =	sld [smem:$0x3FB0]  }
0x29: {  	s4 =	sld [smem:$0x3FB2]  }
0x2a: {  	p0 =	seq.s32 s5, $0x0;
	s5 =	sld [smem:$0x3FB3]  }
0x2b: {  	s6 =	sld [smem:$0x3FB4]  }
0x2c: {  	s7 =	sld [smem:$0x3FB5]  }
0x2d: {  	s3 =	simm.s32 $0x108;
	s8 =	sld [smem:$0x3FB6]  }
0x2e: {  	s3 =	simm.s32 @!p0 $0x1082;
	s9 =	sld [smem:$0x3FB7]  }
0x2f: {  	lr =	sadd.s32 s0, s3;
	s0 =	sld [smem:$0x3FAE]  }
0x30: {  	s3 =	sld [smem:$0x3FB1]  }
0x31: {  	[smem:$0x3FBA] =	sst s10  }
0x32: {  	s10 =	sld [smem:$0x3FB8];
	_ =	sdelay $0x3  }
0x33: {  	p0 =	seq.s32 s10, $0x1;
	s10 =	sld [smem:$0x3FBA];
	_ =	sdelay $0x3  }
0x34: {  	[smem:$0x3FBA] =	sst s10  }
0x35: {  	s10 =	sld [smem:$0x3FB9];
	_ =	sdelay $0x3  }
0x36: {  	p1 =	seq.s32 s10, $0x1;
	s10 =	sld [smem:$0x3FBA];
	_ =	sdelay $0x3  }
0x37: {  	[smem:$0x3FBA] =	sst s10  }
0x38: {  	s10 =	sld [smem:$0x3FBB]  }
0x39: {  	_ = 	snop;
	(pc) =	sbr.ind lr, $3  }
0x3a: {  	_ = 	snop  }
0x3b: {  	_ = 	snop  }
0x3c: {  	p2 =	seq.s32 s10, $0x1;
	s10 =	sld [smem:$0x3FBA]  }
0x3d: {  	_ =	shalt  }
0x3e: {  	_ =	shalt  }
0x3f: {  	_ =	shalt  }
0x40: {  	_ =	shalt  }
0x41: {  	_ =	shalt  }
0x42: {  	_ =	shalt  }
0x43: {  	_ =	shalt  }
0x44: {  	_ =	shalt  }
0x45: {  	_ =	shalt  }
0x46: {  	_ =	shalt  }
0x47: {  	_ =	shalt  }
0x48: {  	_ =	shalt  }
0x49: {  	_ =	shalt  }
0x4a: {  	_ =	shalt  }
0x4b: {  	_ =	shalt  }
0x4c: {  	_ =	shalt  }
0x4d: {  	_ =	shalt  }
0x4e: {  	_ =	shalt  }
0x4f: {  	_ =	shalt  }
0x50: {  	_ =	shalt  }
0x51: {  	_ =	shalt  }
0x52: {  	_ =	shalt  }
0x53: {  	_ =	shalt  }
0x54: {  	_ =	shalt  }
0x55: {  	_ =	shalt  }
0x56: {  	_ =	shalt  }
0x57: {  	_ =	shalt  }
0x58: {  	_ =	shalt  }
0x59: {  	_ =	shalt  }
0x5a: {  	_ =	shalt  }
0x5b: {  	_ =	shalt  }
0x5c: {  	_ =	shalt  }
0x5d: {  	_ =	shalt  }
0x5e: {  	_ =	shalt  }
0x5f: {  	_ =	shalt  }
0x60: {  	_ =	shalt  }
0x61: {  	_ =	shalt  }
0x62: {  	_ =	shalt  }
0x63: {  	_ =	shalt  }
0x64: {  	_ =	shalt  }
0x65: {  	_ =	shalt  }
0x66: {  	_ =	shalt  }
0x67: {  	_ =	shalt  }
0x68: {  	_ =	shalt  }
0x69: {  	_ =	shalt  }
0x6a: {  	_ =	shalt  }
0x6b: {  	_ =	shalt  }
0x6c: {  	_ =	shalt  }
0x6d: {  	_ =	shalt  }
0x6e: {  	_ =	shalt  }
0x6f: {  	_ =	shalt  }
0x70: {  	_ =	shalt  }
0x71: {  	_ =	shalt  }
0x72: {  	_ =	shalt  }
0x73: {  	_ =	shalt  }
0x74: {  	_ =	shalt  }
0x75: {  	_ =	shalt  }
0x76: {  	_ =	shalt  }
0x77: {  	_ =	shalt  }
0x78: {  	_ =	shalt  }
0x79: {  	_ =	shalt  }
0x7a: {  	_ =	shalt  }
0x7b: {  	_ =	shalt  }
0x7c: {  	_ =	shalt  }
0x7d: {  	_ =	shalt  }
0x7e: {  	_ =	shalt  }
0x7f: {  	_ =	shalt  }
0x80: {  	_ =	shalt  }
0x81: {  	_ =	shalt  }
0x82: {  	_ =	shalt  }
0x83: {  	_ =	shalt  }
0x84: {  	_ =	shalt  }
0x85: {  	_ =	shalt  }
0x86: {  	_ =	shalt  }
0x87: {  	_ =	shalt  }
.Lfunc_end0:
.L_simem_size_0:
called_computation.3_lowered:
.L_overlay_start_0:
0x88: {  	s2 =	sld [smem:$0x3FD9]  }
0x89: {  	s3 =	sld [smem:$0x3FFE];
	_ =	sdelay $0x1  }
0x8a: {  	s1 =	srdreg.scid  }
0x8b: {  	s0 =	sand.u32 $0x1, s1  }
0x8c: {  	s17 =	sshll.u32 s0, $0xA;
	s2 =	sadd.s32 s3, s2  }
0x8d: {  	s2 =	sadd.s32 s2, s17  }
0x8e: {  	[smem:$0x3FC6] =	sst s2  }
0x8f: {  	_ = 	snop  }
0x90: {  	(tm) =	ssettm $0x1  }
0x91: {  	s18 =	sld [smem:$0x3FFB];
	_ =	sdelay $0x3  }
0x92: {  	_ =	strace s18  }
0x93: {  	s2 =	sld [smem:$0x3FFC];
	_ =	sdelay $0x3  }
0x94: {  	_ =	strace s2  }
0x95: {  	s2 =	sld [smem:$0x3FFD];
	_ =	sdelay $0x3  }
0x96: {  	_ =	strace s2  }
0x97: {  	_ =	strace $0x8FFFFFFF  }
0x98: {  	s19 =	sld [smem:$0x3FDB];
	_ =	sdelay $0x1  }
0x99: {  	s20 =	simm.s32 $_scs_section_size  }
0x9a: {  	s4 =	simm.s32 $_size__tile_overlayer_lowered;
	s5 =	simm.s32 $_tile_overlayer_lowered  }
0x9b: {  	s6 =	simm.s32 $0x1BFF;
	s21 =	sshll.u32 s5, $0x1;
	s3 =	sadd.s32 s20, s19  }
0x9c: {  	s22 =	simm.s32 $0x0;
	s4 =	sshll.u32 s4, $0x1;
	s5 =	sadd.s32 s21, s3  }
0x9d: {  	[timem:s22], [sflag:s6] =	dma.local [hbm:s5], s4  }
0x9e: {  	_ =	swait.ge [sflag:s6], s4  }
0x9f: {  	s4 =	ssub.s32 $0x0, s4;
	[sflag:s6] =	ssyncset.done $0x0  }
0xa0: {  	[sflag:s6] =	ssyncadd.s32 s4;
	_ =	sdelay $0x1  }
0xa1: {  	s23 =	simm.s32 $0x1B8B  }
0xa2: {  	_ =	swait.ge [sflag:s23], $0x1  }
0xa3: {  	[sflag:s23] =	ssyncset.done $0x0  }
0xa4: {  	[sflag:s23] =	ssyncadd.s32 $0xFFFFFFFF  }
0xa5: {  	s4 =	sld [smem:$0x0]  }
0xa6: {  	s5 =	sand.u32 $0xFFFFFFFE, s1  }
0xa7: {  	p0 =	sne.s32 s1, s5  }
0xa8: {  	s5 =	sshll.u32 @p0 s5, $0xE  }
0xa9: {  	s5 =	sadd.s32 @p0 $0x11B8D, s5;
	s6 =	sshll.u32 @p0 s4, $0x11  }
0xaa: {  	s5 =	sor.u32 @p0 s6, s5  }
0xab: {  	[sflag:s5] =	ssyncadd.remote.s32 @p0 $0x1;
	_ =	sdelay $0x1  }
0xac: {  	s5 =	simm.s32 @p0 $0x1B8D  }
0xad: {  	_ =	swait.eq @p0 [sflag:s5], $0x1  }
0xae: {  	[sflag:s5] =	ssyncadd.s32 @p0 $0xFFFFFFFF  }
0xaf: {  	s6 =	sshll.u32 @!p0 s1, $0xE  }
0xb0: {  	s6 =	sor.u32 @!p0 $0x4000, s6;
	s5 =	simm.s32 @!p0 $0x1B8D  }
0xb1: {  	s4 =	sshll.u32 @!p0 s4, $0x11;
	s6 =	sadd.s32 @!p0 $0x11B8D, s6;
	_ =	swait.eq @!p0 [sflag:s5], $0x1  }
0xb2: {  	s4 =	sor.u32 @!p0 s4, s6;
	[sflag:s5] =	ssyncadd.s32 @!p0 $0xFFFFFFFF  }
0xb3: {  	s25 =	simm.s32 $0x1B8E;
	s24 =	sld [smem:$0x3FFE];
	[sflag:s4] =	ssyncadd.remote.s32 @!p0 $0x1  }
0xb4: {  	s26 =	simm.s32 $execute0_lowered;
	[smem:$0x3FD2] =	sst s25  }
0xb5: {  	s5 =	sshll.u32 s26, $0x1;
	_ =	strace $0x8000004F;
	[dreg:$0x1] =	wrdreg $0xFFFFFFFF  }
0xb6: {  	s28 =	simm.s32 $_size_execute0_lowered;
	s3 =	sadd.s32 s3, s5;
	[dreg:$0x0] =	wrdreg $0x0  }
0xb7: {  	s5 =	sshll.u32 s28, $0x1;
	[dreg:$0x2] =	wrdreg s3  }
0xb8: {  	[dreg:$0x3] =	wrdreg s5  }
0xb9: {  	[dreg:$0x4] =	wrdreg $0xC0  }
0xba: {  	_ =	task [dreg:s22], $0x5FFFF  }
0xbb: {  	[dreg:$0x1] =	wrdreg $0xFFFFFFFF  }
0xbc: {  	[dreg:$0x0] =	wrdreg $0x60  }
0xbd: {  	[dreg:$0x2] =	wrdreg s24  }
0xbe: {  	[dreg:$0x3] =	wrdreg $0xA  }
0xbf: {  	_ =	task.clear_ibuf [dreg:s22], $0x4FFFF;
	_ =	strace $0x9000004F  }
0xc0: {  	s29 =	simm.s32 $0xA;
	_ =	strace $0x80000051  }
0xc1: {  	_ =	swait.ge [sflag:s29], $0x1  }
0xc2: {  	[sflag:s29] =	ssyncadd.s32 $0xFFFFFFFF  }
0xc3: {  	_ =	strace $0x90000051  }
0xc4: {  	_ =	sfence  }
0xc5: {  	s30 =	sld [smem:$0x0];
	_ =	sdelay $0x2  }
0xc6: {  	s31 =	sshll.u32 s1, $0xD;
	s1 =	sshrl.u32 s1, $0x2  }
0xc7: {  	s4 =	sand.u32 $0x4000, s31;
	s1 =	sadd.s32 s1, s30  }
0xc8: {  	s0 =	sor.u32 s4, s0;
	s1 =	sshll.u32 s1, $0x11  }
0xc9: {  	s0 =	sor.u32 s1, s0  }
0xca: {  	s0 =	sadd.s32 $0x8F2B, s0  }
0xcb: {  	[sflag:s0] =	ssyncadd.remote.s32 $0x1  }
0xcc: {  	_ =	sfence.sel $0xFFFF  }
0xcd: {  	[dreg:$0x0] =	wrdreg $0xFFFFFFFF;
	(pc) =	sbr.abs _section_cstart, $3  }
0xce: {  	[dreg:$0x1] =	wrdreg $0xFFFFFFFF  }
0xcf: {  	_ =	task.clear_ibuf [dreg:s22], $0x2FFFF;
	_ =	strace $0x9FFFFFFF  }
0xd0: {  	(tm) =	ssettm $0x7FFFFFFF  }
0xd1: {  	_ =	shalt  }
tec
execute0_lowered:
.L_overlay_start_1:
0x0: {  	(tag) =	ssettag $0x1  }
0x1: {  	s1 =	srdreg.scid  }
0x2: {  	s0 =	stileid.u32;
	s4 =	rddreg [dreg:$0x0]  }
0x3: {  	s2 =	simm.s32 $0x0;
	s14 =	simm.s32 $0x80;
	s15 =	simm.s32 $0x100  }
0x4: {  	s23 =	simm.s32 $0x480;
	s3 =	sand.u32 $0x1, s1;
	s1 =	rddreg [dreg:$0x1]  }
0x5: {  	s24 =	simm.s32 $0x500;
	s5 =	sshll.u32 s0, $0x8;
	[smem:$0x7FF] =	sst s2  }
0x6: {  	s6 =	sshll.u32 s3, $0x7;
	s30 =	ssub.s32 $0x2, s3;
	_ =	strace $0x80000050  }
0x7: {  	s3 =	sadd.s32 $0x4E4200, s4;
	s13 =	sor.u32 s6, s5;
	s31 =	sshrl.u32 s30, $0x1  }
0x8: {  	s5 =	sshrl.u32 s13, $0x3;
	s12 =	ssub.s32 s30, s31;
	s16 =	sor.u32 $0x10, s13  }
0x9: {  	s17 =	sor.u32 $0x20, s13;
	s18 =	sor.u32 $0x30, s13;
	s19 =	sor.u32 $0x40, s13  }
0xa: {  	v7 =	vlaneseq.u32;
	s20 =	sor.u32 $0x50, s13;
	s22 =	sor.u32 $0x70, s13;
	s21 =	sor.u32 $0x60, s13  }
0xb: {  	s11 =	sadd.s32 s5, s4;
	v1 =	vor.u32 s16, v7;
	v2 =	vor.u32 s17, v7;
	s16 =	simm.s32 $0x180;
	s17 =	simm.s32 $0x300  }
0xc: {  	v4 =	vor.u32 s19, v7;
	v5 =	vor.u32 s20, v7;
	v6 =	vor.u32 s21, v7;
	s19 =	simm.s32 $0x200;
	s20 =	simm.s32 $0x380;
	s21 =	simm.s32 $0x280  }
0xd: {  	v0 =	vor.u32 s13, v7;
	s13 =	simm.s32 $0x2;
	s4 =	sadd.s32 $0xEA8600, s11;
	s5 =	sadd.s32 $0xEA8400, s11  }
0xe: {  	s12 =	smax.u32 s12, $0x1;
	s6 =	sadd.s32 $0xEA8200, s11;
	s7 =	sadd.s32 $0xEA8800, s11  }
0xf: {  	v3 =	vor.u32 s18, v7;
	s18 =	simm.s32 $0x1;
	s8 =	sadd.s32 $0xEA8A00, s11;
	s9 =	sadd.s32 $0xEA8C00, s11  }
0x10: {  	v8 =	vimm.f32 $1.000000000e+00;
	v9 =	vimm.f32 $0.0e+00;
	v7 =	vor.u32 s22, v7;
	s22 =	simm.s32 $0x400;
	s10 =	sadd.s32 $0xEA8E00, s11;
	s11 =	sadd.s32 $0xEA9000, s11  }
.LBB2_1:
0x11: {  	[tilespmem:s2], [sflag:$0x2] =	stream.linear.gather [hbm4b:s4+s2], $0x80, $0x38;
	[tilespmem:$0x580] =	vst v63  }
0x12: {  	_ =	swait.ge [sflag:s13], $0x80  }
0x13: {  	[sflag:s13] =	ssyncset.done $0x0  }
0x14: {  	[sflag:s13] =	ssyncadd.s32 $0xFFFFFF80  }
0x15: {  	[tilespmem:s14], [sflag:$0x2] =	stream.linear.gather [hbm4b:s5+s2], $0x80, $0x38;
	[tilespmem:$0x580] =	vst v63  }
0x16: {  	_ =	swait.ge [sflag:s13], $0x80  }
0x17: {  	[sflag:s13] =	ssyncset.done $0x0  }
0x18: {  	[sflag:s13] =	ssyncadd.s32 $0xFFFFFF80  }
0x19: {  	[tilespmem:s15], [sflag:$0x2] =	stream.linear.gather [hbm4b:s6+s2], $0x80, $0x38;
	[tilespmem:$0x580] =	vst v63  }
0x1a: {  	_ =	swait.ge [sflag:s13], $0x80  }
0x1b: {  	[sflag:s13] =	ssyncset.done $0x0  }
0x1c: {  	[sflag:s13] =	ssyncadd.s32 $0xFFFFFF80  }
0x1d: {  	v10 =	vld [tilespmem:$0x0]  }
0x1e: {  	v11 =	vld [tilespmem:$0x80]  }
0x1f: {  	v12 =	vld [tilespmem:$0x100];
	_ =	sdelay $0x1  }
0x20: {  	v18 =	vld [tilespmem:$0x110]  }
0x21: {  	v35 =	vld [tilespmem:$0x120];
	v14 =	vshll.u32 v10, $0xC  }
0x22: {  	v42 =	vld [tilespmem:$0x130];
	v16 =	vshll.u32 v11, $0xC;
	v14 =	vor.u32 v0, v14  }
0x23: {  	v48 =	vld [tilespmem:$0x140];
	v17 =	vshll.u32 v12, $0xC;
	v29 =	vor.u32 v0, v16;
	[tilespmem:$0x180] =	vst v14  }
0x24: {  	vm0 =	veq.s32 v11, v10;
	v30 =	vor.u32 v0, v17;
	[tilespmem:$0x200] =	vst v29  }
0x25: {  	v13 =	vld [tilespmem:$0x10];
	vm1 =	vne.s32 v12, v10;
	v34 =	vshll.u32 v18, $0xC;
	v10 =	vsel vm0, $0x0, v8;
	[tilespmem:$0x280] =	vst v30  }
0x26: {  	v15 =	vld [tilespmem:$0x90];
	v41 =	vshll.u32 v35, $0xC;
	v36 =	vor.u32 v1, v34;
	[tilespmem:$0x480] =	vst v10  }
0x27: {  	v47 =	vshll.u32 v42, $0xC;
	v43 =	vor.u32 v2, v41;
	[tilespmem:$0x290] =	vst v36  }
0x28: {  	vm2 =	vne.s32 v12, v11;
	v54 =	vshll.u32 v48, $0xC;
	v49 =	vor.u32 v3, v47;
	[tilespmem:$0x2A0] =	vst v43  }
0x29: {  	v11 =	vld [tilespmem:$0x20];
	vm11 =	vmand vm1, vm2;
	v56 =	vor.u32 v4, v54;
	[tilespmem:$0x2B0] =	vst v49  }
0x2a: {  	v32 =	vld [tilespmem:$0xA0];
	v31 =	vshll.u32 v13, $0xC;
	v10 =	vsel vm11, $0x3F800000, v9;
	[tilespmem:$0x2C0] =	vst v56  }
0x2b: {  	v33 =	vshll.u32 v15, $0xC;
	vm12 =	veq.s32 v15, v13;
	[tilespmem:$0x500] =	vst v10;
	v10 =	vor.u32 v1, v31  }
0x2c: {  	vm13 =	vne.s32 v18, v13;
	vm14 =	vne.s32 v18, v15;
	[tilespmem:$0x190] =	vst v10;
	v10 =	vor.u32 v1, v33  }
0x2d: {  	v37 =	vld [tilespmem:$0x30];
	vm15 =	vmand vm13, vm14;
	[tilespmem:$0x210] =	vst v10;
	v10 =	vsel vm12, $0x0, v8  }
0x2e: {  	v39 =	vld [tilespmem:$0xB0];
	v38 =	vshll.u32 v11, $0xC;
	[tilespmem:$0x490] =	vst v10;
	v10 =	vsel vm15, $0x3F800000, v9  }
0x2f: {  	v40 =	vshll.u32 v32, $0xC;
	vm6 =	vne.s32 v35, v32;
	[tilespmem:$0x510] =	vst v10;
	v10 =	vor.u32 v2, v38  }
0x30: {  	vm4 =	veq.s32 v32, v11;
	vm5 =	vne.s32 v35, v11;
	[tilespmem:$0x1A0] =	vst v10;
	v10 =	vor.u32 v2, v40  }
0x31: {  	v11 =	vld [tilespmem:$0x40];
	vm7 =	vmand vm5, vm6;
	[tilespmem:$0x220] =	vst v10;
	v10 =	vsel vm4, $0x0, v8  }
0x32: {  	v45 =	vld [tilespmem:$0xC0];
	v44 =	vshll.u32 v37, $0xC;
	[tilespmem:$0x4A0] =	vst v10;
	v10 =	vsel vm7, $0x3F800000, v9  }
0x33: {  	v46 =	vshll.u32 v39, $0xC;
	vm8 =	veq.s32 v39, v37;
	[tilespmem:$0x520] =	vst v10;
	v10 =	vor.u32 v3, v44  }
0x34: {  	vm9 =	vne.s32 v42, v37;
	vm10 =	vne.s32 v42, v39;
	[tilespmem:$0x1B0] =	vst v10;
	v10 =	vor.u32 v3, v46  }
0x35: {  	v50 =	vld [tilespmem:$0x50];
	vm11 =	vmand vm9, vm10;
	[tilespmem:$0x230] =	vst v10;
	v10 =	vsel vm8, $0x0, v8  }
0x36: {  	v52 =	vld [tilespmem:$0xD0];
	v51 =	vshll.u32 v11, $0xC;
	[tilespmem:$0x4B0] =	vst v10;
	v10 =	vsel vm11, $0x3F800000, v9  }
0x37: {  	v55 =	vld [tilespmem:$0x150];
	v53 =	vshll.u32 v45, $0xC;
	vm14 =	vne.s32 v48, v45;
	[tilespmem:$0x530] =	vst v10;
	v10 =	vor.u32 v4, v51  }
0x38: {  	vm12 =	veq.s32 v45, v11;
	vm13 =	vne.s32 v48, v11;
	[tilespmem:$0x1C0] =	vst v10;
	v10 =	vor.u32 v4, v53  }
0x39: {  	vm15 =	vmand vm13, vm14;
	[tilespmem:$0x240] =	vst v10;
	v10 =	vsel vm12, $0x0, v8  }
0x3a: {  	v57 =	vld [tilespmem:$0x60];
	v11 =	vshll.u32 v50, $0xC;
	[tilespmem:$0x4C0] =	vst v10;
	v10 =	vsel vm15, $0x3F800000, v9  }
0x3b: {  	v59 =	vld [tilespmem:$0xE0];
	[tilespmem:$0x540] =	vst v10;
	v10 =	vor.u32 v5, v11;
	v11 =	vshll.u32 v52, $0xC  }
0x3c: {  	v60 =	vld [tilespmem:$0x160];
	v58 =	vshll.u32 v55, $0xC;
	vm5 =	vne.s32 v55, v50;
	[tilespmem:$0x1D0] =	vst v10;
	v10 =	vor.u32 v5, v11  }
0x3d: {  	vm6 =	vne.s32 v55, v52;
	vm4 =	veq.s32 v52, v50;
	v11 =	vor.u32 v5, v58;
	[tilespmem:$0x250] =	vst v10  }
0x3e: {  	vm7 =	vmand vm5, vm6;
	[tilespmem:$0x2D0] =	vst v11;
	v10 =	vsel vm4, $0x0, v8  }
0x3f: {  	v61 =	vld [tilespmem:$0x70];
	v11 =	vshll.u32 v57, $0xC;
	[tilespmem:$0x4D0] =	vst v10;
	v10 =	vsel vm7, $0x3F800000, v9  }
0x40: {  	v62 =	vld [tilespmem:$0xF0];
	[tilespmem:$0x550] =	vst v10;
	v10 =	vor.u32 v6, v11;
	v11 =	vshll.u32 v59, $0xC  }
0x41: {  	v63 =	vld [tilespmem:$0x170];
	vm9 =	vne.s32 v60, v57;
	[tilespmem:$0x1E0] =	vst v10;
	v10 =	vor.u32 v6, v11;
	v11 =	vshll.u32 v60, $0xC  }
0x42: {  	vm10 =	vne.s32 v60, v59;
	vm8 =	veq.s32 v59, v57;
	[tilespmem:$0x260] =	vst v10;
	v10 =	vor.u32 v6, v11  }
0x43: {  	vm11 =	vmand vm9, vm10;
	[tilespmem:$0x2E0] =	vst v10;
	v10 =	vsel vm8, $0x0, v8  }
0x44: {  	v11 =	vshll.u32 v61, $0xC;
	[tilespmem:$0x4E0] =	vst v10;
	v10 =	vsel vm11, $0x3F800000, v9  }
0x45: {  	[tilespmem:$0x560] =	vst v10;
	v10 =	vor.u32 v7, v11;
	v11 =	vshll.u32 v62, $0xC  }
0x46: {  	vm13 =	vne.s32 v63, v61;
	[tilespmem:$0x1F0] =	vst v10;
	v10 =	vor.u32 v7, v11;
	v11 =	vshll.u32 v63, $0xC  }
0x47: {  	vm14 =	vne.s32 v63, v62;
	vm12 =	veq.s32 v62, v61;
	[tilespmem:$0x270] =	vst v10;
	v10 =	vor.u32 v7, v11  }
0x48: {  	vm15 =	vmand vm13, vm14;
	v11 =	vsel vm12, $0x0, v8;
	[tilespmem:$0x2F0] =	vst v10  }
0x49: {  	[tilespmem:$0x4F0] =	vst v11;
	v10 =	vsel vm15, $0x3F800000, v9  }
0x4a: {  	[tilespmem:$0x570] =	vst v10  }
0x4b: {  	[tilespmem:s17], [sflag:$0x1] =	stream.indirect.gather [hbm4b:s3+s14], $0x1, s16, s14, $0xb8;
	[tilespmem:$0x580] =	vst v63  }
0x4c: {  	_ =	swait.ge [sflag:s18], $0x80  }
0x4d: {  	[sflag:s18] =	ssyncset.done $0x0  }
0x4e: {  	[sflag:s18] =	ssyncadd.s32 $0xFFFFFF80  }
0x4f: {  	[tilespmem:s20], [sflag:$0x1] =	stream.indirect.gather [hbm4b:s3+s14], $0x1, s19, s14, $0xb8;
	[tilespmem:$0x580] =	vst v63  }
0x50: {  	_ =	swait.ge [sflag:s18], $0x80  }
0x51: {  	[sflag:s18] =	ssyncset.done $0x0  }
0x52: {  	[sflag:s18] =	ssyncadd.s32 $0xFFFFFF80  }
0x53: {  	[tilespmem:s22], [sflag:$0x1] =	stream.indirect.gather [hbm4b:s3+s14], $0x1, s21, s14, $0xb8;
	[tilespmem:$0x580] =	vst v63  }
0x54: {  	_ =	swait.ge [sflag:s18], $0x80  }
0x55: {  	[sflag:s18] =	ssyncset.done $0x0  }
0x56: {  	[sflag:s18] =	ssyncadd.s32 $0xFFFFFF80  }
0x57: {  	[hbm4b:s7+s2] =	stream.linear.scatter [tilespmem:s17], [sflag:$0x2], $0x80, $0x38;
	[tilespmem:$0x580] =	vst v63  }
0x58: {  	_ =	swait.ge [sflag:s13], $0x80  }
0x59: {  	[sflag:s13] =	ssyncset.done $0x0  }
0x5a: {  	[sflag:s13] =	ssyncadd.s32 $0xFFFFFF80  }
0x5b: {  	[hbm4b:s8+s2] =	stream.linear.scatter [tilespmem:s20], [sflag:$0x2], $0x80, $0x38;
	[tilespmem:$0x580] =	vst v63  }
0x5c: {  	_ =	swait.ge [sflag:s13], $0x80  }
0x5d: {  	[sflag:s13] =	ssyncset.done $0x0  }
0x5e: {  	[sflag:s13] =	ssyncadd.s32 $0xFFFFFF80  }
0x5f: {  	[hbm4b:s9+s2] =	stream.linear.scatter [tilespmem:s22], [sflag:$0x2], $0x80, $0x38;
	[tilespmem:$0x580] =	vst v63  }
0x60: {  	_ =	swait.ge [sflag:s13], $0x80  }
0x61: {  	[sflag:s13] =	ssyncset.done $0x0  }
0x62: {  	[sflag:s13] =	ssyncadd.s32 $0xFFFFFF80  }
0x63: {  	[hbm4b:s10+s2] =	stream.linear.scatter [tilespmem:s23], [sflag:$0x2], $0x80, $0x38;
	[tilespmem:$0x580] =	vst v63  }
0x64: {  	_ =	swait.ge [sflag:s13], $0x80  }
0x65: {  	p0 =	sne.s32 s12, $0x1;
	[sflag:s13] =	ssyncset.done $0x0  }
.Ltmp0:
0x66: {  	[sflag:s13] =	ssyncadd.s32 $0xFFFFFF80;
	(pc) =	sbr.rel @p0 .LBB2_1-.Ltmp0, $4  }
0x67: {  	[hbm4b:s11+s2] =	stream.linear.scatter [tilespmem:s24], [sflag:$0x2], $0x80, $0x38;
	[tilespmem:$0x580] =	vst v63  }
0x68: {  	_ =	swait.ge [sflag:s13], $0x80  }
0x69: {  	[sflag:s13] =	ssyncset.done $0x0  }
0x6a: {  	s12 =	sadd.s32 $0xFFFFFFFF, s12;
	[sflag:s13] =	ssyncadd.s32 $0xFFFFFF80  }
0x6b: {  	_ =	sfence.sel $0x180000  }
0x6c: {  	[bflag:$0x0] =	sbarrier.arrive $0xFFFF  }
0x6d: {  	p0 =	sne.s32 s0, $0x0;
	_ =	strace $0x90000050  }
0x6e: {  	s0 =	sadd.s32 @!p0 $0x100000, s1;
	[bflag:$0x2] =	sbarrier.arrive $0xFFFF  }
0x6f: {  	[sflag:s0] =	ssyncadd.tile.s32 @!p0 $0x1;
	_ =	shalt  }
.Lfunc_end2:
_tile_overlayer_lowered:
.L_overlay_start_2:
0x70: {  	(tag) =	ssettag $0x2  }
0x71: {  	s0 =	rddreg [dreg:$0x0];
	s2 =	stileid.u32  }
0x72: {  	s1 =	rddreg [dreg:$0x1];
	p0 =	sne.s32 s2, $0x0  }
0x73: {  	s3 =	rddreg [dreg:$0x2];
	[bflag:$0x3] =	sbarrier.arrive $0xFFFF;
	s2 =	simm.s32 @!p0 $0x1C02  }
0x74: {  	[timem:s3], [sflag:s2] =	dma.local @!p0 [hbm:s0], s1  }
0x75: {  	s0 =	simm.s32 @!p0 $0x2  }
0x76: {  	_ =	swait.ge @!p0 [sflag:s0], s1  }
0x77: {  	s1 =	ssub.s32 @!p0 $0x0, s1;
	[sflag:s0] =	ssyncset.done @!p0 $0x0  }
0x78: {  	[sflag:s0] =	ssyncadd.s32 @!p0 s1  }
0x79: {  	[bflag:$0x3] =	sbarrier.arrive $0xFFFF  }
0x7a: {  	_ =	shalt  }

// kernel: sparse-core-data-format-call.1.cloned.1.call-start
scs
called_computation.1_lowered:
.L_overlay_start_0:
0x0: {  	s2 =	sld [smem:$0x3FD9]  }
0x1: {  	s3 =	sld [smem:$0x3FFE];
	_ =	sdelay $0x1  }
0x2: {  	s1 =	srdreg.scid  }
0x3: {  	s0 =	sand.u32 $0x1, s1  }
0x4: {  	s18 =	sshll.u32 s0, $0xA;
	s2 =	sadd.s32 s3, s2  }
0x5: {  	s2 =	sadd.s32 s2, s18  }
0x6: {  	[smem:$0x3FC6] =	sst s2  }
0x7: {  	_ = 	snop  }
0x8: {  	(tm) =	ssettm $0x1  }
0x9: {  	s19 =	sld [smem:$0x3FFB];
	_ =	sdelay $0x3  }
0xa: {  	_ =	strace s19  }
0xb: {  	s2 =	sld [smem:$0x3FFC];
	_ =	sdelay $0x3  }
0xc: {  	_ =	strace s2  }
0xd: {  	s2 =	sld [smem:$0x3FFD];
	_ =	sdelay $0x3  }
0xe: {  	_ =	strace s2  }
0xf: {  	_ =	strace $0x8FFFFFFF  }
0x10: {  	s20 =	sld [smem:$0x3FDB];
	_ =	sdelay $0x1  }
0x11: {  	s21 =	simm.s32 $_scs_section_size  }
0x12: {  	s4 =	simm.s32 $_size__tile_overlayer_lowered;
	s5 =	simm.s32 $_tile_overlayer_lowered  }
0x13: {  	s6 =	simm.s32 $0x1BFF;
	s22 =	sshll.u32 s5, $0x1;
	s3 =	sadd.s32 s21, s20  }
0x14: {  	s23 =	simm.s32 $0x0;
	s4 =	sshll.u32 s4, $0x1;
	s5 =	sadd.s32 s22, s3  }
0x15: {  	[timem:s23], [sflag:s6] =	dma.local [hbm:s5], s4  }
0x16: {  	_ =	swait.ge [sflag:s6], s4  }
0x17: {  	s4 =	ssub.s32 $0x0, s4;
	[sflag:s6] =	ssyncset.done $0x0  }
0x18: {  	[sflag:s6] =	ssyncadd.s32 s4;
	_ =	sdelay $0x1  }
0x19: {  	s24 =	simm.s32 $0x1B8B  }
0x1a: {  	_ =	swait.ge [sflag:s24], $0x1  }
0x1b: {  	[sflag:s24] =	ssyncset.done $0x0  }
0x1c: {  	[sflag:s24] =	ssyncadd.s32 $0xFFFFFFFF  }
0x1d: {  	s4 =	sld [smem:$0x0]  }
0x1e: {  	s5 =	sand.u32 $0xFFFFFFFE, s1  }
0x1f: {  	p0 =	sne.s32 s1, s5  }
0x20: {  	s5 =	sshll.u32 @p0 s5, $0xE  }
0x21: {  	s5 =	sadd.s32 @p0 $0x11B8D, s5;
	s6 =	sshll.u32 @p0 s4, $0x11  }
0x22: {  	s5 =	sor.u32 @p0 s6, s5  }
0x23: {  	[sflag:s5] =	ssyncadd.remote.s32 @p0 $0x1;
	_ =	sdelay $0x1  }
0x24: {  	s5 =	simm.s32 @p0 $0x1B8D  }
0x25: {  	_ =	swait.eq @p0 [sflag:s5], $0x1  }
0x26: {  	[sflag:s5] =	ssyncadd.s32 @p0 $0xFFFFFFFF  }
0x27: {  	s6 =	sshll.u32 @!p0 s1, $0xE  }
0x28: {  	s6 =	sor.u32 @!p0 $0x4000, s6;
	s5 =	simm.s32 @!p0 $0x1B8D  }
0x29: {  	s4 =	sshll.u32 @!p0 s4, $0x11;
	s6 =	sadd.s32 @!p0 $0x11B8D, s6;
	_ =	swait.eq @!p0 [sflag:s5], $0x1  }
0x2a: {  	s4 =	sor.u32 @!p0 s4, s6;
	[sflag:s5] =	ssyncadd.s32 @!p0 $0xFFFFFFFF  }
0x2b: {  	s26 =	simm.s32 $0x1B8E;
	s25 =	sld [smem:$0x3FFE];
	[sflag:s4] =	ssyncadd.remote.s32 @!p0 $0x1  }
0x2c: {  	s27 =	simm.s32 $execute0_lowered;
	[smem:$0x3FD2] =	sst s26  }
0x2d: {  	s5 =	sshll.u32 s27, $0x1;
	_ =	strace $0x8000004C;
	[dreg:$0x1] =	wrdreg $0xFFFFFFFF  }
0x2e: {  	s28 =	simm.s32 $_size_execute0_lowered;
	s3 =	sadd.s32 s3, s5;
	[dreg:$0x0] =	wrdreg $0x0  }
0x2f: {  	s5 =	sshll.u32 s28, $0x1;
	[dreg:$0x2] =	wrdreg s3  }
0x30: {  	[dreg:$0x3] =	wrdreg s5  }
0x31: {  	[dreg:$0x4] =	wrdreg $0xC0  }
0x32: {  	_ =	task [dreg:s23], $0x5FFFF  }
0x33: {  	[dreg:$0x1] =	wrdreg $0xFFFFFFFF  }
0x34: {  	[dreg:$0x0] =	wrdreg $0x60  }
0x35: {  	[dreg:$0x2] =	wrdreg s25  }
0x36: {  	[dreg:$0x3] =	wrdreg $0x9  }
0x37: {  	_ =	task.clear_ibuf [dreg:s23], $0x4FFFF;
	_ =	strace $0x9000004C  }
0x38: {  	s29 =	simm.s32 $0x9;
	_ =	strace $0x8000004E  }
0x39: {  	_ =	swait.ge [sflag:s29], $0x1  }
0x3a: {  	[sflag:s29] =	ssyncadd.s32 $0xFFFFFFFF  }
0x3b: {  	_ =	strace $0x9000004E  }
0x3c: {  	_ =	sfence  }
0x3d: {  	s30 =	sld [smem:$0x0];
	_ =	sdelay $0x2  }
0x3e: {  	s31 =	sshll.u32 s1, $0xD;
	s1 =	sshrl.u32 s1, $0x2  }
0x3f: {  	s4 =	sand.u32 $0x4000, s31;
	s1 =	sadd.s32 s1, s30  }
0x40: {  	s0 =	sor.u32 s4, s0;
	s1 =	sshll.u32 s1, $0x11  }
0x41: {  	s0 =	sor.u32 s1, s0  }
0x42: {  	s0 =	sadd.s32 $0x8F2B, s0  }
0x43: {  	[sflag:s0] =	ssyncadd.remote.s32 $0x1  }
0x44: {  	_ =	sfence.sel $0xFFFF  }
0x45: {  	[dreg:$0x0] =	wrdreg $0xFFFFFFFF;
	(pc) =	sbr.abs _section_cstart, $3  }
0x46: {  	[dreg:$0x1] =	wrdreg $0xFFFFFFFF  }
0x47: {  	_ =	task.clear_ibuf [dreg:s23], $0x2FFFF;
	_ =	strace $0x9FFFFFFF  }
0x48: {  	(tm) =	ssettm $0x7FFFFFFF  }
0x49: {  	_ =	shalt  }
tec
execute0_lowered:
.L_overlay_start_1:
0x0: {  	(tag) =	ssettag $0x1  }
0x1: {  	s0 =	srdreg.scid;
	s5 =	rddreg [dreg:$0x0]  }
0x2: {  	s31 =	simm.s32 $0x2;
	s13 =	simm.s32 $0x0;
	s9 =	simm.s32 $0x1000  }
0x3: {  	s10 =	simm.s32 $0x0;
	s14 =	simm.s32 $0x0;
	s1 =	sshll.u32 s0, $0x4  }
0x4: {  	s11 =	stileid.u32;
	s12 =	simm.s32 $0x0;
	s2 =	sand.u32 $0x10, s1  }
0x5: {  	s0 =	rddreg [dreg:$0x1];
	s1 =	stileid.u32;
	s3 =	ssub.s32 $0x20, s2  }
0x6: {  	_ =	strace $0x8000004D;
	s7 =	ssub.s32 $0x4F1, s1;
	s4 =	sshrl.u32 s3, $0x4  }
.Ltmp0:
0x7: {  	s8 =	sshrl.u32 s3, $0x5;
	s4 =	sand.u32 $0x1, s4;
	(pc) =	sbr.rel .LBB1_1-.Ltmp0, $4  }
0x8: {  	s6 =	sshll.u32 s2, $0x7;
	s7 =	sshrl.u32 s7, $0x4;
	s4 =	sadd.s32 s8, s4  }
0x9: {  	s3 =	simm.s32 $0x1;
	s6 =	sadd.s32 s6, s5;
	s4 =	smul.u32 s7, s4  }
0xa: {  	s5 =	sadd.s32 $0x9C6200, s5;
	[sflag:s3] =	ssyncpa.u1 $0x0;
	s6 =	sadd.s32 $0x2200, s6  }
0xb: {  	[sflag:s31] =	ssyncpa.u1 $0x0;
	s8 =	simm.s32 $0x800;
	s7 =	sadd.s32 $0x1, s4  }
.LBB1_7:
0xc: {  	s15 =	sadd.s32 $0x10, s11  }
0xd: {  	p1 =	sgt.s32 s15, $0x4E1  }
0xe: {  	s15 =	smov.u32 @p1 s1;
	p1 =	sne.s32 s12, s7  }
.Ltmp1:
0xf: {  	p0 =	slt.u32 s12, $0x2;
	(pc) =	sbr.rel @!p1 .LBB1_8-.Ltmp1, $4  }
0x10: {  	s13 =	simm.s32 @!p0 $0x2  }
0x11: {  	s16 =	sadd.s32 $0x1, s12;
	s14 =	smov.u32 s11;
	_ =	swait.ge @!p0 [sflag:s13], $0x4000  }
0x12: {  	s10 =	sadd.s32 $0x4000, s10;
	s12 =	smov.u32 s16;
	[sflag:s13] =	ssyncset.done @!p0 $0x0  }
0x13: {  	s11 =	smov.u32 s15;
	[sflag:s13] =	ssyncadd.s32 @!p0 $0xFFFFC000;
	s13 =	smov.u32 s2  }
.LBB1_1:
0x14: {  	p0 =	sge.u32 s12, s4  }
0x15: {  	s15 =	sxor.u32 @!p0 $0xFFFFFFFF, s12  }
0x16: {  	s31 =	sadd.s32 $0xFFFFFFFF, s12;
	s16 =	sshll.u32 @!p0 s11, $0xC;
	s15 =	sshll.u32 @!p0 s15, $0xE  }
0x17: {  	s17 =	simm.s32 @!p0 $0x0;
	s16 =	sadd.s32 @!p0 s16, s6;
	s15 =	sand.u32 @!p0 $0x4000, s15  }
0x18: {  	[tilespmem:s15], [sflag:$0x1] =	stream.linear.gather @!p0 [hbm4b:s16+s17], $0x4000, $0x38;
	[tilespmem:$0x10000] =	vst v63  }
0x19: {  	p0 =	sge.u32 s31, s4  }
.Ltmp2:
0x1a: {  	_ = 	snop;
	(pc) =	sbr.rel @p0 .LBB1_7-.Ltmp2, $1  }
0x1b: {  	_ =	sdelay $0x3  }
0x1c: {  	s16 =	sand.u32 $0x4000, s10  }
0x1d: {  	_ =	swait.ge [sflag:s3], $0x4000;
	s18 =	sshll.u32 s12, $0xE;
	s15 =	sor.u32 $0x8040, s16  }
0x1e: {  	s17 =	sor.u32 $0x40, s16;
	[sflag:s3] =	ssyncset.done $0x0;
	s31 =	sand.u32 $0x4000, s18  }
0x1f: {  	s18 =	simm.s32 $0x0;
	[sflag:s3] =	ssyncadd.s32 $0xFFFFC000;
	s16 =	sor.u32 $0x8000, s31  }
.LBB1_3:
0x20: {  	v0 =	vmov s17;
	_ =	sdelay $0x3  }
0x21: {  	s20 =	simm.s32 $0x0  }
0x22: {  	v6 =	vld.idx.msk [tilespmem:v0+s20+$0x30 ss:$0x1], $0xffff  }
0x23: {  	v7 =	vld.idx.msk [tilespmem:v0+s20+$0xFFFFFFC0 ss:$0x1], $0xffff  }
0x24: {  	v5 =	vld.idx.msk [tilespmem:v0+s20+$0xFFFFFFD0 ss:$0x1], $0xffff  }
0x25: {  	v4 =	vld.idx.msk [tilespmem:v0+s20+$0xFFFFFFE0 ss:$0x1], $0xffff  }
0x26: {  	v3 =	vld.idx.msk [tilespmem:v0+s20+$0xFFFFFFF0 ss:$0x1], $0xffff  }
0x27: {  	v1 =	vld.idx.msk [tilespmem:v0+s20+$0x0 ss:$0x1], $0xffff  }
0x28: {  	v2 =	vld.idx.msk [tilespmem:v0+s20+$0x10 ss:$0x1], $0xffff;
	[tilespmem:s15+$0x30] =	vst v6  }
0x29: {  	s19 =	simm.s32 $0x80;
	s21 =	simm.s32 $0x400;
	[tilespmem:s15+$0xFFFFFFC0] =	vst v7;
	v6 =	vld.idx.msk [tilespmem:v0+s20+$0x20 ss:$0x1], $0xffff;
	s20 =	smov.u32 s15  }
.LBB1_4:
0x2a: {  	p0 =	sne.s32 s21, $0xE00;
	v7 =	vld.idx.msk [tilespmem:v0+s19+$0x30 ss:$0x1], $0xffff;
	[tilespmem:s20+$0xFFFFFFD0] =	vst v5  }
0x2b: {  	v8 =	vld.idx.msk [tilespmem:v0+s19+$0xFFFFFFC0 ss:$0x1], $0xffff;
	[tilespmem:s20+$0xFFFFFFE0] =	vst v4  }
0x2c: {  	v5 =	vld.idx.msk [tilespmem:v0+s19+$0xFFFFFFD0 ss:$0x1], $0xffff;
	[tilespmem:s20+$0xFFFFFFF0] =	vst v3  }
.Ltmp3:
0x2d: {  	v4 =	vld.idx.msk [tilespmem:v0+s19+$0xFFFFFFE0 ss:$0x1], $0xffff;
	[tilespmem:s20+$0x0] =	vst v1;
	(pc) =	sbr.rel @p0 .LBB1_4-.Ltmp3, $4  }
0x2e: {  	v3 =	vld.idx.msk [tilespmem:v0+s19+$0xFFFFFFF0 ss:$0x1], $0xffff;
	[tilespmem:s20+$0x10] =	vst v2  }
0x2f: {  	v1 =	vld.idx.msk [tilespmem:v0+s19+$0x0 ss:$0x1], $0xffff;
	[tilespmem:s20+$0x20] =	vst v6;
	s20 =	sadd.s32 $0x800, s20  }
0x30: {  	v2 =	vld.idx.msk [tilespmem:v0+s19+$0x10 ss:$0x1], $0xffff;
	[tilespmem:s20+$0x30] =	vst v7  }
0x31: {  	[tilespmem:s20+$0xFFFFFFC0] =	vst v8;
	v6 =	vld.idx.msk [tilespmem:v0+s19+$0x20 ss:$0x1], $0xffff;
	s19 =	sshra.s32 s21, $0x2;
	s21 =	sadd.s32 $0x200, s21  }
0x32: {  	_ =	sdelay $0x2  }
0x33: {  	[tilespmem:s20+$0xFFFFFFD0] =	vst v5  }
0x34: {  	v56 =	vld.idx.msk [tilespmem:v0+s19+$0x30 ss:$0x1], $0xffff;
	[tilespmem:s20+$0xFFFFFFE0] =	vst v4  }
0x35: {  	v57 =	vld.idx.msk [tilespmem:v0+s19+$0xFFFFFFC0 ss:$0x1], $0xffff;
	[tilespmem:s20+$0xFFFFFFF0] =	vst v3  }
0x36: {  	v58 =	vld.idx.msk [tilespmem:v0+s19+$0xFFFFFFD0 ss:$0x1], $0xffff;
	[tilespmem:s20+$0x0] =	vst v1  }
0x37: {  	v59 =	vld.idx.msk [tilespmem:v0+s19+$0xFFFFFFE0 ss:$0x1], $0xffff;
	[tilespmem:s20+$0x10] =	vst v2  }
0x38: {  	v60 =	vld.idx.msk [tilespmem:v0+s19+$0xFFFFFFF0 ss:$0x1], $0xffff;
	s31 =	sadd.s32 $0x800, s20;
	[tilespmem:s20+$0x20] =	vst v6  }
0x39: {  	v61 =	vld.idx.msk [tilespmem:v0+s19+$0x0 ss:$0x1], $0xffff;
	[tilespmem:s31+$0x30] =	vst v56  }
0x3a: {  	v62 =	vld.idx.msk [tilespmem:v0+s19+$0x10 ss:$0x1], $0xffff;
	s18 =	sadd.s32 $0x1, s18;
	[tilespmem:s31+$0xFFFFFFC0] =	vst v57  }
0x3b: {  	v63 =	vld.idx.msk [tilespmem:v0+s19+$0x20 ss:$0x1], $0xffff;
	p0 =	sne.s32 s18, $0x10;
	[tilespmem:s31+$0xFFFFFFD0] =	vst v58  }
.Ltmp4:
0x3c: {  	[tilespmem:s31+$0xFFFFFFE0] =	vst v59;
	(pc) =	sbr.rel @p0 .LBB1_3-.Ltmp4, $4  }
0x3d: {  	[tilespmem:s31+$0xFFFFFFF0] =	vst v60  }
0x3e: {  	[tilespmem:s31+$0x0] =	vst v61  }
0x3f: {  	[tilespmem:s31+$0x10] =	vst v62  }
0x40: {  	s15 =	sadd.s32 $0x80, s15;
	s17 =	sadd.s32 $0x400, s17;
	[tilespmem:s31+$0x20] =	vst v63  }
.Ltmp5:
0x41: {  	(pc) =	sbr.rel .LBB1_7-.Ltmp5, $4  }
0x42: {  	s14 =	sshll.u32 s14, $0xC  }
0x43: {  	s13 =	sshll.u32 s13, $0x4;
	s14 =	sadd.s32 s5, s14  }
0x44: {  	s13 =	sadd.s32 s13, s14  }
0x45: {  	[hbm4b:s13+s8] =	stream.strided.scatter [tilespmem:s16], [sflag:$0x2], $0x4000, s9, s8, $0x38;
	[tilespmem:$0x10000] =	vst v63  }
.LBB1_8:
0x46: {  	_ =	sfence.sel $0x180000  }
0x47: {  	s2 =	simm.s32 $0x1;
	[bflag:$0x0] =	sbarrier.arrive $0xFFFF  }
0x48: {  	s31 =	simm.s32 $0x2;
	[sflag:s2] =	ssyncpa.u1 $0x1  }
0x49: {  	[sflag:s31] =	ssyncpa.u1 $0x1  }
0x4a: {  	p0 =	sne.s32 s1, $0x0;
	_ =	strace $0x9000004D  }
0x4b: {  	s0 =	sadd.s32 @!p0 $0x100000, s0;
	[bflag:$0x2] =	sbarrier.arrive $0xFFFF  }
0x4c: {  	[sflag:s0] =	ssyncadd.tile.s32 @!p0 $0x1;
	_ =	shalt  }
.Lfunc_end1:
_tile_overlayer_lowered:
.L_overlay_start_2:
0x4d: {  	(tag) =	ssettag $0x2  }
0x4e: {  	s0 =	rddreg [dreg:$0x0];
	s2 =	stileid.u32  }
0x4f: {  	s1 =	rddreg [dreg:$0x1];
	p0 =	sne.s32 s2, $0x0  }
0x50: {  	s3 =	rddreg [dreg:$0x2];
	[bflag:$0x3] =	sbarrier.arrive $0xFFFF;
	s2 =	simm.s32 @!p0 $0x1C01  }
0x51: {  	[timem:s3], [sflag:s2] =	dma.local @!p0 [hbm:s0], s1  }
0x52: {  	s0 =	simm.s32 @!p0 $0x1  }
0x53: {  	_ =	swait.ge @!p0 [sflag:s0], s1  }
0x54: {  	s1 =	ssub.s32 @!p0 $0x0, s1;
	[sflag:s0] =	ssyncset.done @!p0 $0x0  }
0x55: {  	[sflag:s0] =	ssyncadd.s32 @!p0 s1  }
0x56: {  	[bflag:$0x3] =	sbarrier.arrive $0xFFFF  }
0x57: {  	_ =	shalt  }

// kernel: sparse-core-data-format-call.2.cloned.1.call-start
scs
called_computation.2_lowered:
.L_overlay_start_0:
0x0: {  	s2 =	sld [smem:$0x3FD9]  }
0x1: {  	s3 =	sld [smem:$0x3FFE];
	_ =	sdelay $0x1  }
0x2: {  	s1 =	srdreg.scid  }
0x3: {  	s0 =	sand.u32 $0x1, s1  }
0x4: {  	s18 =	sshll.u32 s0, $0xA;
	s2 =	sadd.s32 s3, s2  }
0x5: {  	s2 =	sadd.s32 s2, s18  }
0x6: {  	[smem:$0x3FC6] =	sst s2  }
0x7: {  	_ = 	snop  }
0x8: {  	s2 =	sld [smem:$0x3FC9];
	(tm) =	ssettm $0x1  }
0x9: {  	s19 =	sld [smem:$0x3FFB];
	_ =	sdelay $0x3  }
0xa: {  	_ =	strace s19  }
0xb: {  	s3 =	sld [smem:$0x3FFC];
	_ =	sdelay $0x3  }
0xc: {  	_ =	strace s3  }
0xd: {  	s3 =	sld [smem:$0x3FFD];
	_ =	sdelay $0x3  }
0xe: {  	_ =	strace s3  }
0xf: {  	_ =	strace $0x8FFFFFFF  }
0x10: {  	s20 =	sld [smem:$0x3FDB];
	_ =	sdelay $0x1  }
0x11: {  	s4 =	simm.s32 $_scs_section_size  }
0x12: {  	s5 =	simm.s32 $_size__tile_overlayer_lowered;
	s6 =	simm.s32 $_tile_overlayer_lowered  }
0x13: {  	s23 =	simm.s32 $0x1BFF;
	s22 =	sshll.u32 s6, $0x1;
	s3 =	sadd.s32 s4, s20  }
0x14: {  	s7 =	simm.s32 $0x0;
	s21 =	sshll.u32 s5, $0x1;
	s5 =	sadd.s32 s22, s3  }
0x15: {  	[timem:s7], [sflag:s23] =	dma.local [hbm:s5], s21  }
0x16: {  	_ =	swait.ge [sflag:s23], s21  }
0x17: {  	s4 =	ssub.s32 $0x0, s21;
	[sflag:s23] =	ssyncset.done $0x0  }
0x18: {  	[sflag:s23] =	ssyncadd.s32 s4;
	_ =	sdelay $0x1  }
0x19: {  	s24 =	simm.s32 $0x1B8B  }
0x1a: {  	_ =	swait.ge [sflag:s24], $0x1  }
0x1b: {  	[sflag:s24] =	ssyncset.done $0x0  }
0x1c: {  	s26 =	simm.s32 $0x1B8E;
	s25 =	sld [smem:$0x3FFE];
	[sflag:s24] =	ssyncadd.s32 $0xFFFFFFFF  }
0x1d: {  	s27 =	simm.s32 $execute0_lowered;
	[smem:$0x3FD2] =	sst s26  }
0x1e: {  	s5 =	sshll.u32 s27, $0x1;
	_ =	strace $0x80000046;
	[dreg:$0x1] =	wrdreg $0xFFFFFFFF  }
0x1f: {  	s28 =	simm.s32 $_size_execute0_lowered;
	s3 =	sadd.s32 s3, s5;
	[dreg:$0x0] =	wrdreg $0x0  }
0x20: {  	s5 =	sshll.u32 s28, $0x1;
	[dreg:$0x2] =	wrdreg s3  }
0x21: {  	[dreg:$0x3] =	wrdreg s5  }
0x22: {  	[dreg:$0x4] =	wrdreg $0xC0  }
0x23: {  	_ =	task [dreg:s7], $0x5FFFF  }
0x24: {  	[dreg:$0x1] =	wrdreg $0xFFFFFFFF  }
0x25: {  	[dreg:$0x0] =	wrdreg $0x60  }
0x26: {  	[dreg:$0x2] =	wrdreg s2  }
0x27: {  	[dreg:$0x3] =	wrdreg s25  }
0x28: {  	[dreg:$0x4] =	wrdreg $0x9  }
0x29: {  	_ =	task.clear_ibuf [dreg:s7], $0x5FFFF;
	_ =	strace $0x90000046  }
0x2a: {  	s29 =	simm.s32 $0x9;
	_ =	strace $0x80000048  }
0x2b: {  	_ =	swait.ge [sflag:s29], $0x1  }
0x2c: {  	[sflag:s29] =	ssyncadd.s32 $0xFFFFFFFF  }
0x2d: {  	_ =	strace $0x90000048  }
0x2e: {  	_ =	sfence  }
0x2f: {  	s30 =	sld [smem:$0x0];
	_ =	sdelay $0x2  }
0x30: {  	s31 =	sshll.u32 s1, $0xD;
	s1 =	sshrl.u32 s1, $0x2  }
0x31: {  	s3 =	sand.u32 $0x4000, s31;
	s1 =	sadd.s32 s1, s30  }
0x32: {  	s0 =	sor.u32 s3, s0;
	s1 =	sshll.u32 s1, $0x11  }
0x33: {  	s0 =	sor.u32 s1, s0  }
0x34: {  	s0 =	sadd.s32 $0x8F2B, s0  }
0x35: {  	[sflag:s0] =	ssyncadd.remote.s32 $0x1  }
0x36: {  	_ =	sfence.sel $0xFFFF  }
0x37: {  	[dreg:$0x0] =	wrdreg $0xFFFFFFFF;
	(pc) =	sbr.abs _section_cstart, $3  }
0x38: {  	[dreg:$0x1] =	wrdreg $0xFFFFFFFF  }
0x39: {  	_ =	task.clear_ibuf [dreg:s7], $0x2FFFF;
	_ =	strace $0x9FFFFFFF  }
0x3a: {  	(tm) =	ssettm $0x7FFFFFFF  }
0x3b: {  	_ =	shalt  }
tec
execute0_lowered:
.L_overlay_start_1:
0x0: {  	(tag) =	ssettag $0x1  }
0x1: {  	s7 =	rddreg [dreg:$0x0]  }
0x2: {  	s6 =	rddreg [dreg:$0x1]  }
0x3: {  	s0 =	rddreg [dreg:$0x2];
	s1 =	stileid.u32  }
0x4: {  	s3 =	srdreg.scid;
	_ =	strace $0x80000047;
	s4 =	simm.s32 $0x1  }
0x5: {  	s30 =	simm.s32 $0x2;
	s14 =	simm.s32 $0x0;
	s2 =	sshll.u32 s1, $0x3  }
0x6: {  	s13 =	simm.s32 $0x0;
	s3 =	sshll.u32 s3, $0xB;
	s5 =	ssub.s32 $0x2710, s2  }
0x7: {  	s3 =	sand.u32 $0x800, s3;
	s8 =	sshrl.u32 s5, $0x7;
	s5 =	sand.u32 $0x78, s5  }
0x8: {  	s12 =	simm.s32 $0x0;
	s9 =	ssub.s32 $0x1000, s3;
	p0 =	sne.s32 s5, $0x0  }
0x9: {  	s5 =	simm.s32 $0x1;
	s10 =	sshrl.u32 s9, $0xB;
	s9 =	sshrl.u32 s9, $0xC  }
.Ltmp0:
0xa: {  	s5 =	simm.s32 @!p0 $0x0;
	s10 =	sand.u32 $0x1, s10;
	(pc) =	sbr.rel .LBB1_1-.Ltmp0, $4  }
0xb: {  	[sflag:s4] =	ssyncpa.u1 $0x0;
	s5 =	sadd.s32 s5, s8;
	s29 =	sadd.s32 s9, s10  }
0xc: {  	s6 =	sadd.s32 $0x2200, s6;
	s31 =	sshrl.u32 s3, $0x3;
	s5 =	smul.u32 s5, s29  }
0xd: {  	[sflag:s30] =	ssyncpa.u1 $0x0;
	s11 =	smov.u32 s2;
	s7 =	sadd.s32 s7, s31  }
0xe: {  	s9 =	simm.s32 $0x0;
	s10 =	simm.s32 $0x0;
	s8 =	sadd.s32 $0x1, s5  }
.LBB1_7:
0xf: {  	s15 =	sadd.s32 $0x80, s11  }
0x10: {  	p1 =	sgt.s32 s15, $0x270F  }
0x11: {  	s15 =	smov.u32 @p1 s2;
	p1 =	sne.s32 s12, s8  }
.Ltmp1:
0x12: {  	p0 =	slt.u32 s12, $0x2;
	(pc) =	sbr.rel @!p1 .LBB1_8-.Ltmp1, $4  }
0x13: {  	s14 =	simm.s32 @!p0 $0x2  }
0x14: {  	s16 =	sadd.s32 $0x1, s12;
	s13 =	smov.u32 s11;
	_ =	swait.ge @!p0 [sflag:s14], $0x4000  }
0x15: {  	s10 =	sadd.s32 $0x4000, s10;
	s12 =	smov.u32 s16;
	[sflag:s14] =	ssyncset.done @!p0 $0x0  }
0x16: {  	s11 =	smov.u32 s15;
	[sflag:s14] =	ssyncadd.s32 @!p0 $0xFFFFC000;
	s14 =	smov.u32 s3  }
.LBB1_1:
0x17: {  	p0 =	sge.u32 s12, s5  }
0x18: {  	s31 =	sadd.s32 $0xFFFFFFFF, s12;
	s15 =	sxor.u32 @!p0 $0xFFFFFFFF, s12  }
0x19: {  	s16 =	sshll.u32 @!p0 s11, $0x9;
	s17 =	simm.s32 @!p0 $0x800;
	s15 =	sshll.u32 @!p0 s15, $0xE  }
0x1a: {  	s18 =	simm.s32 @!p0 $0x1000;
	s16 =	sadd.s32 @!p0 s16, s7;
	s15 =	sand.u32 @!p0 $0x4000, s15  }
0x1b: {  	[tilespmem:s15], [sflag:$0x1] =	stream.strided.gather @!p0 [hbm4b:s16+s17], $0x4000, s18, s17, $0x38;
	[tilespmem:$0x10000] =	vst v63  }
0x1c: {  	p0 =	sge.u32 s31, s5  }
.Ltmp2:
0x1d: {  	_ = 	snop;
	(pc) =	sbr.rel @p0 .LBB1_7-.Ltmp2, $1  }
0x1e: {  	_ =	sdelay $0x3  }
0x1f: {  	s15 =	sand.u32 $0x4000, s10  }
0x20: {  	_ =	swait.ge [sflag:s4], $0x4000;
	s18 =	sshll.u32 s12, $0xE;
	s16 =	sor.u32 $0x100, s15  }
0x21: {  	s17 =	sor.u32 $0x8800, s15;
	[sflag:s4] =	ssyncset.done $0x0;
	s31 =	sand.u32 $0x4000, s18  }
0x22: {  	s18 =	simm.s32 $0x0;
	[sflag:s4] =	ssyncadd.s32 $0xFFFFC000;
	s15 =	sor.u32 $0x8000, s31  }
.LBB1_3:
0x23: {  	v0 =	vld [tilespmem:s16+$0xF0]  }
0x24: {  	v1 =	vld [tilespmem:s16+$0xFFFFFF10]  }
0x25: {  	v2 =	vld [tilespmem:s16+$0xFFFFFF20]  }
0x26: {  	v3 =	vld [tilespmem:s16+$0xFFFFFF30]  }
0x27: {  	v4 =	vld [tilespmem:s16+$0xFFFFFF40]  }
0x28: {  	v5 =	vld [tilespmem:s16+$0xFFFFFF50];
	[tilespmem:s17+$0x470] =	vst v0  }
0x29: {  	[tilespmem:s17+$0xFFFFF810] =	vst v1;
	v0 =	vld [tilespmem:s16+$0xFFFFFF60]  }
0x2a: {  	[tilespmem:s17+$0xFFFFF820] =	vst v2;
	v1 =	vld [tilespmem:s16+$0xFFFFFF70]  }
0x2b: {  	[tilespmem:s17+$0xFFFFF830] =	vst v3;
	v2 =	vld [tilespmem:s16+$0xFFFFFF80]  }
0x2c: {  	[tilespmem:s17+$0xFFFFF840] =	vst v4;
	v3 =	vld [tilespmem:s16+$0xFFFFFF90]  }
0x2d: {  	[tilespmem:s17+$0xFFFFF850] =	vst v5;
	v4 =	vld [tilespmem:s16+$0xFFFFFFA0]  }
0x2e: {  	v5 =	vld [tilespmem:s16+$0xA0];
	[tilespmem:s17+$0xFFFFF860] =	vst v0  }
0x2f: {  	v0 =	vld [tilespmem:s16+$0xFFFFFFB0];
	[tilespmem:s17+$0xFFFFF870] =	vst v1  }
0x30: {  	v1 =	vld [tilespmem:s16+$0xFFFFFFC0];
	[tilespmem:s17+$0xFFFFFC00] =	vst v2  }
0x31: {  	[tilespmem:s17+$0xFFFFFC10] =	vst v3;
	v3 =	vld [tilespmem:s16+$0xFFFFFFE0]  }
0x32: {  	[tilespmem:s17+$0xFFFFFC20] =	vst v4;
	v4 =	vld [tilespmem:s16+$0xFFFFFFF0]  }
0x33: {  	v2 =	vld [tilespmem:s16+$0xFFFFFFD0];
	[tilespmem:s17+$0x420] =	vst v5  }
0x34: {  	[tilespmem:s17+$0xFFFFFC30] =	vst v0;
	v0 =	vld [tilespmem:s16+$0x0]  }
0x35: {  	[tilespmem:s17+$0xFFFFFC40] =	vst v1;
	v1 =	vld [tilespmem:s16+$0x10]  }
0x36: {  	[tilespmem:s17+$0xFFFFFC60] =	vst v3;
	v3 =	vld [tilespmem:s16+$0x30]  }
0x37: {  	[tilespmem:s17+$0xFFFFFC70] =	vst v4;
	v4 =	vld [tilespmem:s16+$0x40]  }
0x38: {  	[tilespmem:s17+$0xFFFFFC50] =	vst v2;
	v2 =	vld [tilespmem:s16+$0x20]  }
0x39: {  	[tilespmem:s17+$0x0] =	vst v0;
	v0 =	vld [tilespmem:s16+$0x50]  }
0x3a: {  	[tilespmem:s17+$0x10] =	vst v1;
	v1 =	vld [tilespmem:s16+$0x60]  }
0x3b: {  	[tilespmem:s17+$0x30] =	vst v3;
	v3 =	vld [tilespmem:s16+$0x80]  }
0x3c: {  	[tilespmem:s17+$0x40] =	vst v4;
	v4 =	vld [tilespmem:s16+$0x90]  }
0x3d: {  	[tilespmem:s17+$0x20] =	vst v2;
	v2 =	vld [tilespmem:s16+$0x70]  }
0x3e: {  	[tilespmem:s17+$0x50] =	vst v0;
	v0 =	vld [tilespmem:s16+$0xB0]  }
0x3f: {  	[tilespmem:s17+$0x60] =	vst v1;
	v1 =	vld [tilespmem:s16+$0xC0]  }
0x40: {  	[tilespmem:s17+$0x400] =	vst v3;
	v3 =	vld [tilespmem:s16+$0xD0]  }
0x41: {  	[tilespmem:s17+$0x410] =	vst v4;
	v4 =	vld [tilespmem:s16+$0xE0]  }
0x42: {  	s20 =	simm.s32 $0x0;
	s21 =	sadd.s32 $0x200, s16;
	s19 =	smov.u32 s17;
	[tilespmem:s17+$0x70] =	vst v2;
	v2 =	vld [tilespmem:s16+$0xFFFFFF00]  }
.LBB1_4:
0x43: {  	v5 =	vld [tilespmem:s21+$0xF0];
	s20 =	sadd.s32 $0x200, s20;
	[tilespmem:s19+$0x430] =	vst v0  }
0x44: {  	v0 =	vld [tilespmem:s21+$0xFFFFFF10];
	p0 =	slt.u32 s20, $0x600;
	[tilespmem:s19+$0x440] =	vst v1  }
0x45: {  	v1 =	vld [tilespmem:s21+$0xFFFFFF20];
	[tilespmem:s19+$0x450] =	vst v3  }
0x46: {  	v3 =	vld [tilespmem:s21+$0xFFFFFF30];
	[tilespmem:s19+$0x460] =	vst v4  }
0x47: {  	v4 =	vld [tilespmem:s21+$0xFFFFFF40];
	[tilespmem:s19+$0xFFFFF800] =	vst v2;
	s19 =	sadd.s32 $0x1000, s19  }
0x48: {  	v2 =	vld [tilespmem:s21+$0xFFFFFF50];
	[tilespmem:s19+$0x470] =	vst v5  }
0x49: {  	[tilespmem:s19+$0xFFFFF810] =	vst v0;
	v0 =	vld [tilespmem:s21+$0xFFFFFF60]  }
0x4a: {  	[tilespmem:s19+$0xFFFFF820] =	vst v1;
	v1 =	vld [tilespmem:s21+$0xFFFFFF70]  }
0x4b: {  	[tilespmem:s19+$0xFFFFF830] =	vst v3;
	v3 =	vld [tilespmem:s21+$0xFFFFFF80]  }
0x4c: {  	[tilespmem:s19+$0xFFFFF840] =	vst v4;
	v4 =	vld [tilespmem:s21+$0xFFFFFF90]  }
0x4d: {  	[tilespmem:s19+$0xFFFFF850] =	vst v2;
	v2 =	vld [tilespmem:s21+$0xFFFFFFA0]  }
0x4e: {  	[tilespmem:s19+$0xFFFFF860] =	vst v0;
	v0 =	vld [tilespmem:s21+$0xFFFFFFB0]  }
0x4f: {  	[tilespmem:s19+$0xFFFFF870] =	vst v1;
	v1 =	vld [tilespmem:s21+$0xFFFFFFC0]  }
0x50: {  	[tilespmem:s19+$0xFFFFFC00] =	vst v3;
	v3 =	vld [tilespmem:s21+$0xFFFFFFD0]  }
0x51: {  	[tilespmem:s19+$0xFFFFFC10] =	vst v4;
	v4 =	vld [tilespmem:s21+$0xFFFFFFE0]  }
0x52: {  	[tilespmem:s19+$0xFFFFFC20] =	vst v2;
	v2 =	vld [tilespmem:s21+$0xFFFFFFF0]  }
0x53: {  	[tilespmem:s19+$0xFFFFFC30] =	vst v0;
	v0 =	vld [tilespmem:s21+$0x0]  }
0x54: {  	[tilespmem:s19+$0xFFFFFC40] =	vst v1;
	v1 =	vld [tilespmem:s21+$0x10]  }
0x55: {  	[tilespmem:s19+$0xFFFFFC50] =	vst v3;
	v3 =	vld [tilespmem:s21+$0x20]  }
0x56: {  	[tilespmem:s19+$0xFFFFFC60] =	vst v4;
	v4 =	vld [tilespmem:s21+$0x30]  }
0x57: {  	[tilespmem:s19+$0xFFFFFC70] =	vst v2;
	v2 =	vld [tilespmem:s21+$0x40]  }
0x58: {  	[tilespmem:s19+$0x0] =	vst v0;
	v0 =	vld [tilespmem:s21+$0x50]  }
0x59: {  	[tilespmem:s19+$0x10] =	vst v1;
	v1 =	vld [tilespmem:s21+$0x60]  }
0x5a: {  	[tilespmem:s19+$0x20] =	vst v3;
	v3 =	vld [tilespmem:s21+$0x70]  }
0x5b: {  	[tilespmem:s19+$0x30] =	vst v4;
	v4 =	vld [tilespmem:s21+$0x80]  }
0x5c: {  	[tilespmem:s19+$0x40] =	vst v2;
	v2 =	vld [tilespmem:s21+$0x90]  }
0x5d: {  	[tilespmem:s19+$0x50] =	vst v0;
	v5 =	vld [tilespmem:s21+$0xA0]  }
.Ltmp3:
0x5e: {  	[tilespmem:s19+$0x60] =	vst v1;
	v0 =	vld [tilespmem:s21+$0xB0];
	(pc) =	sbr.rel @p0 .LBB1_4-.Ltmp3, $4  }
0x5f: {  	[tilespmem:s19+$0x70] =	vst v3;
	v1 =	vld [tilespmem:s21+$0xC0]  }
0x60: {  	[tilespmem:s19+$0x400] =	vst v4;
	v3 =	vld [tilespmem:s21+$0xD0]  }
0x61: {  	[tilespmem:s19+$0x410] =	vst v2;
	v4 =	vld [tilespmem:s21+$0xE0]  }
0x62: {  	v2 =	vld [tilespmem:s21+$0xFFFFFF00];
	[tilespmem:s19+$0x420] =	vst v5;
	s21 =	sadd.s32 $0x200, s21  }
0x63: {  	s18 =	sadd.s32 $0x1, s18  }
0x64: {  	p0 =	sne.s32 s18, $0x8  }
.Ltmp4:
0x65: {  	[tilespmem:s19+$0x430] =	vst v0;
	(pc) =	sbr.rel @p0 .LBB1_3-.Ltmp4, $4  }
0x66: {  	[tilespmem:s19+$0x440] =	vst v1  }
0x67: {  	[tilespmem:s19+$0x450] =	vst v3  }
0x68: {  	[tilespmem:s19+$0x460] =	vst v4  }
0x69: {  	s16 =	sadd.s32 $0x800, s16;
	s17 =	sadd.s32 $0x80, s17;
	[tilespmem:s19+$0xFFFFF800] =	vst v2  }
0x6a: {  	s16 =	sshll.u32 s13, $0xC  }
0x6b: {  	s14 =	sshll.u32 s14, $0x3;
	s16 =	sand.u32 $0xFFFF8000, s16  }
0x6c: {  	s14 =	sor.u32 s14, s16  }
0x6d: {  	s14 =	sshrl.u32 s14, $0xC  }
0x6e: {  	s30 =	smulhi.u32 $0x68DB9, s14;
	_ =	sdelay $0x1  }
0x6f: {  	s16 =	smul.u32 $0x2710, s30  }
.Ltmp5:
0x70: {  	s31 =	sshll.u32 s13, $0x4;
	(pc) =	sbr.rel .LBB1_7-.Ltmp5, $4  }
0x71: {  	s13 =	sand.u32 $0x70, s31;
	s14 =	ssub.s32 s14, s16  }
0x72: {  	s13 =	sadd.s32 s6, s13;
	s14 =	sshll.u32 s14, $0x9  }
0x73: {  	s13 =	sadd.s32 s14, s13  }
0x74: {  	[hbm4b:s13+s9] =	stream.linear.scatter [tilespmem:s15], [sflag:$0x2], $0x4000, $0x38;
	[tilespmem:$0x10000] =	vst v63  }
.LBB1_8:
0x75: {  	_ =	sfence.sel $0x180000  }
0x76: {  	s2 =	simm.s32 $0x1;
	[bflag:$0x0] =	sbarrier.arrive $0xFFFF  }
0x77: {  	s31 =	simm.s32 $0x2;
	[sflag:s2] =	ssyncpa.u1 $0x1  }
0x78: {  	[sflag:s31] =	ssyncpa.u1 $0x1  }
0x79: {  	p0 =	sne.s32 s1, $0x0;
	_ =	strace $0x90000047  }
0x7a: {  	s0 =	sadd.s32 @!p0 $0x100000, s0;
	[bflag:$0x2] =	sbarrier.arrive $0xFFFF  }
0x7b: {  	[sflag:s0] =	ssyncadd.tile.s32 @!p0 $0x1;
	_ =	shalt  }
.Lfunc_end1:
_tile_overlayer_lowered:
.L_overlay_start_2:
0x7c: {  	(tag) =	ssettag $0x2  }
0x7d: {  	s0 =	rddreg [dreg:$0x0];
	s2 =	stileid.u32  }
0x7e: {  	s1 =	rddreg [dreg:$0x1];
	p0 =	sne.s32 s2, $0x0  }
0x7f: {  	s3 =	rddreg [dreg:$0x2];
	[bflag:$0x3] =	sbarrier.arrive $0xFFFF;
	s2 =	simm.s32 @!p0 $0x1C01  }
0x80: {  	[timem:s3], [sflag:s2] =	dma.local @!p0 [hbm:s0], s1  }
0x81: {  	s0 =	simm.s32 @!p0 $0x1  }
0x82: {  	_ =	swait.ge @!p0 [sflag:s0], s1  }
0x83: {  	s1 =	ssub.s32 @!p0 $0x0, s1;
	[sflag:s0] =	ssyncset.done @!p0 $0x0  }
0x84: {  	[sflag:s0] =	ssyncadd.s32 @!p0 s1  }
0x85: {  	[bflag:$0x3] =	sbarrier.arrive $0xFFFF  }
0x86: {  	_ =	shalt  }

// kernel: sparse-core-data-format-call.cloned.1.call-start
scs
called_computation_lowered:
.L_overlay_start_0:
0x0: {  	s1 =	sld [smem:$0x3FD9]  }
0x1: {  	s2 =	sld [smem:$0x3FFE];
	_ =	sdelay $0x1  }
0x2: {  	s3 =	srdreg.scid  }
0x3: {  	s0 =	sand.u32 $0x1, s3  }
0x4: {  	s17 =	sshll.u32 s0, $0xA;
	s1 =	sadd.s32 s2, s1  }
0x5: {  	s1 =	sadd.s32 s1, s17  }
0x6: {  	[smem:$0x3FC6] =	sst s1  }
0x7: {  	_ = 	snop  }
0x8: {  	(tm) =	ssettm $0x1  }
0x9: {  	s18 =	sld [smem:$0x3FFB];
	_ =	sdelay $0x3  }
0xa: {  	_ =	strace s18  }
0xb: {  	s1 =	sld [smem:$0x3FFC];
	_ =	sdelay $0x3  }
0xc: {  	_ =	strace s1  }
0xd: {  	s1 =	sld [smem:$0x3FFD];
	_ =	sdelay $0x3  }
0xe: {  	_ =	strace s1  }
0xf: {  	_ =	strace $0x8FFFFFFF  }
0x10: {  	s19 =	sld [smem:$0x3FDB];
	_ =	sdelay $0x1  }
0x11: {  	s20 =	simm.s32 $_scs_section_size  }
0x12: {  	s4 =	simm.s32 $_size__tile_overlayer_lowered;
	s5 =	simm.s32 $_tile_overlayer_lowered  }
0x13: {  	s23 =	simm.s32 $0x1BFF;
	s22 =	sshll.u32 s5, $0x1;
	s1 =	sadd.s32 s20, s19  }
0x14: {  	s6 =	simm.s32 $0x0;
	s21 =	sshll.u32 s4, $0x1;
	s4 =	sadd.s32 s22, s1  }
0x15: {  	[timem:s6], [sflag:s23] =	dma.local [hbm:s4], s21  }
0x16: {  	_ =	swait.ge [sflag:s23], s21  }
0x17: {  	s2 =	ssub.s32 $0x0, s21;
	[sflag:s23] =	ssyncset.done $0x0  }
0x18: {  	[sflag:s23] =	ssyncadd.s32 s2;
	_ =	sdelay $0x1  }
0x19: {  	s24 =	simm.s32 $0x1B8B  }
0x1a: {  	_ =	swait.ge [sflag:s24], $0x1  }
0x1b: {  	[sflag:s24] =	ssyncset.done $0x0  }
0x1c: {  	s26 =	simm.s32 $0x1B8E;
	s25 =	sld [smem:$0x3FFE];
	[sflag:s24] =	ssyncadd.s32 $0xFFFFFFFF  }
0x1d: {  	s27 =	simm.s32 $execute0_lowered;
	[smem:$0x3FD2] =	sst s26  }
0x1e: {  	s4 =	sshll.u32 s27, $0x1;
	_ =	strace $0x80000049;
	[dreg:$0x1] =	wrdreg $0xFFFFFFFF  }
0x1f: {  	s28 =	simm.s32 $_size_execute0_lowered;
	s1 =	sadd.s32 s1, s4;
	[dreg:$0x0] =	wrdreg $0x0  }
0x20: {  	s4 =	sshll.u32 s28, $0x1;
	[dreg:$0x2] =	wrdreg s1  }
0x21: {  	[dreg:$0x3] =	wrdreg s4  }
0x22: {  	[dreg:$0x4] =	wrdreg $0xC0  }
0x23: {  	_ =	task [dreg:s6], $0x5FFFF  }
0x24: {  	[dreg:$0x1] =	wrdreg $0xFFFFFFFF  }
0x25: {  	[dreg:$0x0] =	wrdreg $0x60  }
0x26: {  	[dreg:$0x2] =	wrdreg s25  }
0x27: {  	[dreg:$0x3] =	wrdreg $0xA  }
0x28: {  	_ =	task.clear_ibuf [dreg:s6], $0x4FFFF;
	_ =	strace $0x90000049  }
0x29: {  	s29 =	simm.s32 $0xA;
	_ =	strace $0x8000004B  }
0x2a: {  	_ =	swait.ge [sflag:s29], $0x1  }
0x2b: {  	[sflag:s29] =	ssyncadd.s32 $0xFFFFFFFF  }
0x2c: {  	_ =	strace $0x9000004B  }
0x2d: {  	_ =	sfence  }
0x2e: {  	s30 =	sld [smem:$0x0];
	_ =	sdelay $0x2  }
0x2f: {  	s31 =	sshll.u32 s3, $0xD;
	s3 =	sshrl.u32 s3, $0x2  }
0x30: {  	s2 =	sand.u32 $0x4000, s31;
	s1 =	sadd.s32 s3, s30  }
0x31: {  	s0 =	sor.u32 s2, s0;
	s1 =	sshll.u32 s1, $0x11  }
0x32: {  	s0 =	sor.u32 s1, s0  }
0x33: {  	s0 =	sadd.s32 $0x8F2B, s0  }
0x34: {  	[sflag:s0] =	ssyncadd.remote.s32 $0x1  }
0x35: {  	_ =	sfence.sel $0xFFFF  }
0x36: {  	[dreg:$0x0] =	wrdreg $0xFFFFFFFF;
	(pc) =	sbr.abs _section_cstart, $3  }
0x37: {  	[dreg:$0x1] =	wrdreg $0xFFFFFFFF  }
0x38: {  	_ =	task.clear_ibuf [dreg:s6], $0x2FFFF;
	_ =	strace $0x9FFFFFFF  }
0x39: {  	(tm) =	ssettm $0x7FFFFFFF  }
tec
execute0_lowered:
.L_overlay_start_1:
0x0: {  	(tag) =	ssettag $0x1  }
0x1: {  	s0 =	srdreg.scid;
	s5 =	rddreg [dreg:$0x0]  }
0x2: {  	s31 =	simm.s32 $0x2;
	s13 =	simm.s32 $0x0;
	s9 =	simm.s32 $0x1000  }
0x3: {  	s10 =	simm.s32 $0x0;
	s14 =	simm.s32 $0x0;
	s1 =	sshll.u32 s0, $0x4  }
0x4: {  	s11 =	stileid.u32;
	s12 =	simm.s32 $0x0;
	s2 =	sand.u32 $0x10, s1  }
0x5: {  	s0 =	rddreg [dreg:$0x1];
	s1 =	stileid.u32;
	s3 =	ssub.s32 $0x20, s2  }
0x6: {  	_ =	strace $0x8000004A;
	s7 =	ssub.s32 $0x4F1, s1;
	s4 =	sshrl.u32 s3, $0x4  }
.Ltmp0:
0x7: {  	s8 =	sshrl.u32 s3, $0x5;
	s4 =	sand.u32 $0x1, s4;
	(pc) =	sbr.rel .LBB1_1-.Ltmp0, $4  }
0x8: {  	s6 =	sshll.u32 s2, $0x7;
	s7 =	sshrl.u32 s7, $0x4;
	s4 =	sadd.s32 s8, s4  }
0x9: {  	s3 =	simm.s32 $0x1;
	s6 =	sadd.s32 s6, s5;
	s4 =	smul.u32 s7, s4  }
0xa: {  	s5 =	sadd.s32 $0x4E4200, s5;
	[sflag:s3] =	ssyncpa.u1 $0x0;
	s6 =	sadd.s32 $0x2200, s6  }
0xb: {  	[sflag:s31] =	ssyncpa.u1 $0x0;
	s8 =	simm.s32 $0x800;
	s7 =	sadd.s32 $0x1, s4  }
.LBB1_7:
0xc: {  	s15 =	sadd.s32 $0x10, s11  }
0xd: {  	p1 =	sgt.s32 s15, $0x4E1  }
0xe: {  	s15 =	smov.u32 @p1 s1;
	p1 =	sne.s32 s12, s7  }
.Ltmp1:
0xf: {  	p0 =	slt.u32 s12, $0x2;
	(pc) =	sbr.rel @!p1 .LBB1_8-.Ltmp1, $4  }
0x10: {  	s13 =	simm.s32 @!p0 $0x2  }
0x11: {  	s16 =	sadd.s32 $0x1, s12;
	s14 =	smov.u32 s11;
	_ =	swait.ge @!p0 [sflag:s13], $0x4000  }
0x12: {  	s10 =	sadd.s32 $0x4000, s10;
	s12 =	smov.u32 s16;
	[sflag:s13] =	ssyncset.done @!p0 $0x0  }
0x13: {  	s11 =	smov.u32 s15;
	[sflag:s13] =	ssyncadd.s32 @!p0 $0xFFFFC000;
	s13 =	smov.u32 s2  }
.LBB1_1:
0x14: {  	p0 =	sge.u32 s12, s4  }
0x15: {  	s15 =	sxor.u32 @!p0 $0xFFFFFFFF, s12  }
0x16: {  	s31 =	sadd.s32 $0xFFFFFFFF, s12;
	s16 =	sshll.u32 @!p0 s11, $0xC;
	s15 =	sshll.u32 @!p0 s15, $0xE  }
0x17: {  	s17 =	simm.s32 @!p0 $0x0;
	s16 =	sadd.s32 @!p0 s16, s6;
	s15 =	sand.u32 @!p0 $0x4000, s15  }
0x18: {  	[tilespmem:s15], [sflag:$0x1] =	stream.linear.gather @!p0 [hbm4b:s16+s17], $0x4000, $0x38;
	[tilespmem:$0x10000] =	vst v63  }
0x19: {  	p0 =	sge.u32 s31, s4  }
.Ltmp2:
0x1a: {  	_ = 	snop;
	(pc) =	sbr.rel @p0 .LBB1_7-.Ltmp2, $1  }
0x1b: {  	_ =	sdelay $0x3  }
0x1c: {  	s16 =	sand.u32 $0x4000, s10  }
0x1d: {  	_ =	swait.ge [sflag:s3], $0x4000;
	s18 =	sshll.u32 s12, $0xE;
	s15 =	sor.u32 $0x8040, s16  }
0x1e: {  	s17 =	sor.u32 $0x40, s16;
	[sflag:s3] =	ssyncset.done $0x0;
	s31 =	sand.u32 $0x4000, s18  }
0x1f: {  	s18 =	simm.s32 $0x0;
	[sflag:s3] =	ssyncadd.s32 $0xFFFFC000;
	s16 =	sor.u32 $0x8000, s31  }
.LBB1_3:
0x20: {  	v0 =	vmov s17;
	_ =	sdelay $0x3  }
0x21: {  	s20 =	simm.s32 $0x0  }
0x22: {  	v6 =	vld.idx.msk [tilespmem:v0+s20+$0x30 ss:$0x1], $0xffff  }
0x23: {  	v7 =	vld.idx.msk [tilespmem:v0+s20+$0xFFFFFFC0 ss:$0x1], $0xffff  }
0x24: {  	v5 =	vld.idx.msk [tilespmem:v0+s20+$0xFFFFFFD0 ss:$0x1], $0xffff  }
0x25: {  	v4 =	vld.idx.msk [tilespmem:v0+s20+$0xFFFFFFE0 ss:$0x1], $0xffff  }
0x26: {  	v3 =	vld.idx.msk [tilespmem:v0+s20+$0xFFFFFFF0 ss:$0x1], $0xffff  }
0x27: {  	v1 =	vld.idx.msk [tilespmem:v0+s20+$0x0 ss:$0x1], $0xffff  }
0x28: {  	v2 =	vld.idx.msk [tilespmem:v0+s20+$0x10 ss:$0x1], $0xffff;
	[tilespmem:s15+$0x30] =	vst v6  }
0x29: {  	s19 =	simm.s32 $0x80;
	s21 =	simm.s32 $0x400;
	[tilespmem:s15+$0xFFFFFFC0] =	vst v7;
	v6 =	vld.idx.msk [tilespmem:v0+s20+$0x20 ss:$0x1], $0xffff;
	s20 =	smov.u32 s15  }
.LBB1_4:
0x2a: {  	p0 =	sne.s32 s21, $0xE00;
	v7 =	vld.idx.msk [tilespmem:v0+s19+$0x30 ss:$0x1], $0xffff;
	[tilespmem:s20+$0xFFFFFFD0] =	vst v5  }
0x2b: {  	v8 =	vld.idx.msk [tilespmem:v0+s19+$0xFFFFFFC0 ss:$0x1], $0xffff;
	[tilespmem:s20+$0xFFFFFFE0] =	vst v4  }
0x2c: {  	v5 =	vld.idx.msk [tilespmem:v0+s19+$0xFFFFFFD0 ss:$0x1], $0xffff;
	[tilespmem:s20+$0xFFFFFFF0] =	vst v3  }
.Ltmp3:
0x2d: {  	v4 =	vld.idx.msk [tilespmem:v0+s19+$0xFFFFFFE0 ss:$0x1], $0xffff;
	[tilespmem:s20+$0x0] =	vst v1;
	(pc) =	sbr.rel @p0 .LBB1_4-.Ltmp3, $4  }
0x2e: {  	v3 =	vld.idx.msk [tilespmem:v0+s19+$0xFFFFFFF0 ss:$0x1], $0xffff;
	[tilespmem:s20+$0x10] =	vst v2  }
0x2f: {  	v1 =	vld.idx.msk [tilespmem:v0+s19+$0x0 ss:$0x1], $0xffff;
	[tilespmem:s20+$0x20] =	vst v6;
	s20 =	sadd.s32 $0x800, s20  }
0x30: {  	v2 =	vld.idx.msk [tilespmem:v0+s19+$0x10 ss:$0x1], $0xffff;
	[tilespmem:s20+$0x30] =	vst v7  }
0x31: {  	[tilespmem:s20+$0xFFFFFFC0] =	vst v8;
	v6 =	vld.idx.msk [tilespmem:v0+s19+$0x20 ss:$0x1], $0xffff;
	s19 =	sshra.s32 s21, $0x2;
	s21 =	sadd.s32 $0x200, s21  }
0x32: {  	_ =	sdelay $0x2  }
0x33: {  	[tilespmem:s20+$0xFFFFFFD0] =	vst v5  }
0x34: {  	v56 =	vld.idx.msk [tilespmem:v0+s19+$0x30 ss:$0x1], $0xffff;
	[tilespmem:s20+$0xFFFFFFE0] =	vst v4  }
0x35: {  	v57 =	vld.idx.msk [tilespmem:v0+s19+$0xFFFFFFC0 ss:$0x1], $0xffff;
	[tilespmem:s20+$0xFFFFFFF0] =	vst v3  }
0x36: {  	v58 =	vld.idx.msk [tilespmem:v0+s19+$0xFFFFFFD0 ss:$0x1], $0xffff;
	[tilespmem:s20+$0x0] =	vst v1  }
0x37: {  	v59 =	vld.idx.msk [tilespmem:v0+s19+$0xFFFFFFE0 ss:$0x1], $0xffff;
	[tilespmem:s20+$0x10] =	vst v2  }
0x38: {  	v60 =	vld.idx.msk [tilespmem:v0+s19+$0xFFFFFFF0 ss:$0x1], $0xffff;
	s31 =	sadd.s32 $0x800, s20;
	[tilespmem:s20+$0x20] =	vst v6  }
0x39: {  	v61 =	vld.idx.msk [tilespmem:v0+s19+$0x0 ss:$0x1], $0xffff;
	[tilespmem:s31+$0x30] =	vst v56  }
0x3a: {  	v62 =	vld.idx.msk [tilespmem:v0+s19+$0x10 ss:$0x1], $0xffff;
	s18 =	sadd.s32 $0x1, s18;
	[tilespmem:s31+$0xFFFFFFC0] =	vst v57  }
0x3b: {  	v63 =	vld.idx.msk [tilespmem:v0+s19+$0x20 ss:$0x1], $0xffff;
	p0 =	sne.s32 s18, $0x10;
	[tilespmem:s31+$0xFFFFFFD0] =	vst v58  }
.Ltmp4:
0x3c: {  	[tilespmem:s31+$0xFFFFFFE0] =	vst v59;
	(pc) =	sbr.rel @p0 .LBB1_3-.Ltmp4, $4  }
0x3d: {  	[tilespmem:s31+$0xFFFFFFF0] =	vst v60  }
0x3e: {  	[tilespmem:s31+$0x0] =	vst v61  }
0x3f: {  	[tilespmem:s31+$0x10] =	vst v62  }
0x40: {  	s15 =	sadd.s32 $0x80, s15;
	s17 =	sadd.s32 $0x400, s17;
	[tilespmem:s31+$0x20] =	vst v63  }
.Ltmp5:
0x41: {  	(pc) =	sbr.rel .LBB1_7-.Ltmp5, $4  }
0x42: {  	s14 =	sshll.u32 s14, $0xC  }
0x43: {  	s13 =	sshll.u32 s13, $0x4;
	s14 =	sadd.s32 s5, s14  }
0x44: {  	s13 =	sadd.s32 s13, s14  }
0x45: {  	[hbm4b:s13+s8] =	stream.strided.scatter [tilespmem:s16], [sflag:$0x2], $0x4000, s9, s8, $0x38;
	[tilespmem:$0x10000] =	vst v63  }
.LBB1_8:
0x46: {  	_ =	sfence.sel $0x180000  }
0x47: {  	s2 =	simm.s32 $0x1;
	[bflag:$0x0] =	sbarrier.arrive $0xFFFF  }
0x48: {  	s31 =	simm.s32 $0x2;
	[sflag:s2] =	ssyncpa.u1 $0x1  }
0x49: {  	[sflag:s31] =	ssyncpa.u1 $0x1  }
0x4a: {  	p0 =	sne.s32 s1, $0x0;
	_ =	strace $0x9000004A  }
0x4b: {  	s0 =	sadd.s32 @!p0 $0x100000, s0;
	[bflag:$0x2] =	sbarrier.arrive $0xFFFF  }
0x4c: {  	[sflag:s0] =	ssyncadd.tile.s32 @!p0 $0x1;
	_ =	shalt  }
.Lfunc_end1:
_tile_overlayer_lowered:
.L_overlay_start_2:
0x4d: {  	(tag) =	ssettag $0x2  }
0x4e: {  	s0 =	rddreg [dreg:$0x0];
	s2 =	stileid.u32  }
0x4f: {  	s1 =	rddreg [dreg:$0x1];
	p0 =	sne.s32 s2, $0x0  }
0x50: {  	s3 =	rddreg [dreg:$0x2];
	[bflag:$0x3] =	sbarrier.arrive $0xFFFF;
	s2 =	simm.s32 @!p0 $0x1C01  }
0x51: {  	[timem:s3], [sflag:s2] =	dma.local @!p0 [hbm:s0], s1  }
0x52: {  	s0 =	simm.s32 @!p0 $0x1  }
0x53: {  	_ =	swait.ge @!p0 [sflag:s0], s1  }
0x54: {  	s1 =	ssub.s32 @!p0 $0x0, s1;
	[sflag:s0] =	ssyncset.done @!p0 $0x0  }
0x55: {  	[sflag:s0] =	ssyncadd.s32 @!p0 s1  }
0x56: {  	[bflag:$0x3] =	sbarrier.arrive $0xFFFF  }
0x57: {  	_ =	shalt  }

</sc_bundles>
